<compile_context>
chip_gen: v7x
topology: tpu7x:2x2x1
jax: 0.10.2.dev20260603
libtpu: 0.0.44.dev20260713+nightly
codegen_flags: <defaults>
</compile_context>

<pallas_src>
import functools

import jax
import jax.numpy as jnp
from jax import lax
from jax.experimental import pallas as pl
from jax.experimental.pallas import tpu as pltpu
from jax.experimental.pallas import tpu_sc as plsc

N, E, D, C, G = 10000, 320000, 128, 10, 64
NPAD = 10240
EPAD = 327680
NTILES = 16
NW = 32
EPW = EPAD // NW
CHUNK = 64
ROWS_PER_TILE = NPAD // NTILES


NACC2 = 10112
CPT = EPW // CHUNK
G_CH = 8
NGRP = CPT // G_CH
IB3 = 3 * G_CH
NH = 4
FAH = 3


@functools.cache
def _make_sc_agg(with_deg):
    rpt = NPAD // NTILES
    scratch = [
        pltpu.VMEM((IB3, 2, CHUNK), jnp.int32),
        pltpu.VMEM((NH * CHUNK, D), jnp.float32),
        pltpu.VMEM_SHARED((NPAD, D), jnp.float32),
        pltpu.SemaphoreType.DMA,
        pltpu.SemaphoreType.DMA,
        pltpu.SemaphoreType.DMA,
    ]
    if with_deg:
        scratch.append(pltpu.VMEM((NACC2,), jnp.float32))
    out_type = [jax.ShapeDtypeStruct((2, NPAD, D), jnp.float32)]
    if with_deg:
        out_type.append(jax.ShapeDtypeStruct((NW, NACC2), jnp.float32))
    mesh = plsc.VectorSubcoreMesh(core_axis_name="c", subcore_axis_name="s")

    @functools.partial(
        pl.kernel, mesh=mesh, out_type=out_type, scratch_types=scratch,
        compiler_params=pltpu.CompilerParams(needs_layout_passes=False))
    def sc_agg(y_hbm, ec_hbm, *refs):
        if with_deg:
            agg_out, deg_out, ibuf, rows2, acc_s, gsem, ssem, isem, deg_v = refs
        else:
            agg_out, ibuf, rows2, acc_s, gsem, ssem, isem = refs
            deg_v = None

        c = lax.axis_index("c")
        s = lax.axis_index("s")
        wid = c * NTILES + s
        base_row = s * rpt
        zeros16 = jnp.zeros((16,), jnp.float32)
        ones16 = jnp.ones((16,), jnp.float32)

        def zrow(i, carry):
            for k in range(D // 16):
                rows2[i, pl.ds(k * 16, 16)] = zeros16
            return carry
        lax.fori_loop(0, 128, zrow, 0)
        zsrc = rows2.at[pl.ds(0, 128)]
        for i in range(rpt // 128):
            pltpu.async_copy(
                zsrc, acc_s.at[pl.ds(base_row + i * 128, 128)], gsem)
        for i in range(rpt // 128):
            pltpu.make_async_copy(
                zsrc, acc_s.at[pl.ds(base_row, 128)], gsem).wait()
        if with_deg:
            def zdeg(i, carry):
                deg_v[pl.ds(i * 16, 16)] = zeros16
                return carry
            lax.fori_loop(0, NACC2 // 16, zdeg, 0)
        plsc.subcore_barrier()

        cbase = wid * CPT

        def deg_update(idx_t):
            if with_deg:
                for j in range(CHUNK // 16):
                    idx16 = ibuf[idx_t, 1, pl.ds(j * 16, 16)]
                    plsc.addupdate_scatter(deg_v, [idx16], ones16)

        def load_group(g, third):
            pltpu.async_copy(ec_hbm.at[pl.ds(cbase + g * G_CH, G_CH)],
                             ibuf.at[pl.ds(third * G_CH, G_CH)], isem)

        def fire_gather(cc, idx_t):
            pltpu.async_copy(y_hbm.at[ibuf.at[idx_t, 0]],
                             rows2.at[pl.ds((cc % NH) * CHUNK, CHUNK)], gsem)

        load_group(0, 0)
        load_group(1, 1)
        pltpu.make_async_copy(ec_hbm.at[pl.ds(0, G_CH)],
                              ibuf.at[pl.ds(0, G_CH)], isem).wait()
        pltpu.make_async_copy(ec_hbm.at[pl.ds(0, G_CH)],
                              ibuf.at[pl.ds(0, G_CH)], isem).wait()
        for j in range(FAH):
            fire_gather(j, j)

        def body(t, idx_t):
            rs = rows2.at[pl.ds((t % NH) * CHUNK, CHUNK)]
            pltpu.make_async_copy(y_hbm.at[ibuf.at[idx_t, 0]], rs,
                                  gsem).wait()
            pltpu.async_copy(rs, acc_s.at[ibuf.at[idx_t, 1]], ssem, add=True)

            @pl.when(t >= NH - FAH)
            def _():
                pltpu.make_async_copy(rows2.at[pl.ds(0, CHUNK)],
                                      acc_s.at[ibuf.at[0, 1]], ssem).wait()

            slot = t % G_CH
            @pl.when((slot == FAH - 1) & (t < (NGRP - 2) * G_CH))
            def _():
                third2 = idx_t // G_CH + 2
                third2 = jnp.where(third2 >= 3, third2 - 3, third2)
                load_group(t // G_CH + 2, third2)

            t2 = t + FAH
            idx2 = jnp.where(idx_t + FAH >= IB3, idx_t + FAH - IB3,
                             idx_t + FAH)

            @pl.when((t2 % G_CH == 0) & (t2 >= 2 * G_CH) & (t2 <= CPT - 1))
            def _():
                pltpu.make_async_copy(ec_hbm.at[pl.ds(0, G_CH)],
                                      ibuf.at[pl.ds(0, G_CH)], isem).wait()

            @pl.when(t2 <= CPT - 1)
            def _():
                fire_gather(t2, idx2)

            deg_update(idx_t)
            idx1 = jnp.where(idx_t + 1 >= IB3, 0, idx_t + 1)
            return idx1

        lax.fori_loop(0, CPT, body, jnp.int32(0))
        for _ in range(NH - FAH):
            pltpu.make_async_copy(rows2.at[pl.ds(0, CHUNK)],
                                  acc_s.at[ibuf.at[0, 1]], ssem).wait()

        plsc.subcore_barrier()

        pltpu.sync_copy(acc_s.at[pl.ds(base_row, rpt)],
                        agg_out.at[c, pl.ds(base_row, rpt)])
        if with_deg:
            pltpu.sync_copy(deg_v, deg_out.at[wid])

    return sc_agg


def _sc_agg_deg(y, ec):
    return _make_sc_agg(True)(y, ec)


def _sc_agg(y, ec):
    return _make_sc_agg(False)(y, ec)[0]


def _layer_body(aggp_ref, degt_ref, w1_ref, b_ref, w2_ref, o_ref):
    i = pl.program_id(0)
    blk = aggp_ref.shape[1]
    a = aggp_ref[0] + aggp_ref[1]
    deg = jnp.sum(degt_ref[...], axis=1, keepdims=True)
    inv = 1.0 / jnp.maximum(deg, 1.0)
    h = jnp.dot(a * inv, w1_ref[...], preferred_element_type=jnp.float32)
    h = jnp.maximum(h + b_ref[...], 0.0)
    row = i * blk + lax.broadcasted_iota(jnp.int32, (blk, 1), 0)
    h = jnp.where(row < N, h, 0.0)
    o_ref[...] = jnp.dot(h, w2_ref[...], preferred_element_type=jnp.float32)


def _tc_layer(aggp, degt, w1, b, w2, blk=2048):
    return pl.pallas_call(
        _layer_body,
        grid=(NPAD // blk,),
        in_specs=[
            pl.BlockSpec((2, blk, D), lambda i: (0, i, 0)),
            pl.BlockSpec((blk, NW), lambda i: (i, 0)),
            pl.BlockSpec((D, D), lambda i: (0, 0)),
            pl.BlockSpec((1, D), lambda i: (0, 0)),
            pl.BlockSpec((D, D), lambda i: (0, 0)),
        ],
        out_specs=pl.BlockSpec((blk, D), lambda i: (i, 0)),
        out_shape=jax.ShapeDtypeStruct((NPAD, D), jnp.float32),
    )(aggp, degt, w1, b, w2)


def _final_body(aggp_ref, degt_ref, b_ref, batch_ref, wh_ref, bh_ref,
                o_ref, pool_ref, cnt_ref):
    i = pl.program_id(0)
    blk = aggp_ref.shape[1]
    a = aggp_ref[0] + aggp_ref[1]
    deg = jnp.sum(degt_ref[...], axis=1, keepdims=True)
    inv = 1.0 / jnp.maximum(deg, 1.0)
    h = jnp.maximum(a * inv + b_ref[...], 0.0)
    row = i * blk + lax.broadcasted_iota(jnp.int32, (blk, 1), 0)
    h = jnp.where(row < N, h, 0.0)
    batch = batch_ref[...]
    cols = lax.broadcasted_iota(jnp.int32, (blk, 128), 1)
    onehot = (batch == cols).astype(jnp.float32)

    @pl.when(i == 0)
    def _():
        pool_ref[...] = jnp.zeros_like(pool_ref)
        cnt_ref[...] = jnp.zeros_like(cnt_ref)

    dn = (((0,), (0,)), ((), ()))
    pool_ref[...] += lax.dot_general(onehot, h, dn,
                                     preferred_element_type=jnp.float32)
    cnt_ref[...] += lax.dot_general(onehot, jnp.ones((blk, 1), jnp.float32),
                                    dn, preferred_element_type=jnp.float32)

    pooled = pool_ref[...] / jnp.maximum(cnt_ref[...], 1.0)
    res = jnp.dot(pooled, wh_ref[...],
                  preferred_element_type=jnp.float32) + bh_ref[...]
    o_ref[...] = res[0:G, :]


def _tc_final(aggp, degt, b, batch, wh, bh, blk=1024):
    return pl.pallas_call(
        _final_body,
        grid=(NPAD // blk,),
        in_specs=[
            pl.BlockSpec((2, blk, D), lambda i: (0, i, 0)),
            pl.BlockSpec((blk, NW), lambda i: (i, 0)),
            pl.BlockSpec((1, D), lambda i: (0, 0)),
            pl.BlockSpec((blk, 1), lambda i: (i, 0)),
            pl.BlockSpec((D, C), lambda i: (0, 0)),
            pl.BlockSpec((1, C), lambda i: (0, 0)),
        ],
        out_specs=pl.BlockSpec((G, C), lambda i: (0, 0)),
        out_shape=jax.ShapeDtypeStruct((G, C), jnp.float32),
        scratch_shapes=[
            pltpu.VMEM((128, D), jnp.float32),
            pltpu.VMEM((128, 1), jnp.float32),
        ],
    )(aggp, degt, b, batch, wh, bh)


@jax.jit
def kernel(x, edge_index, batch_idx, W1, b1, W2, b2, Wh, bh):
    x_pad = jnp.pad(x, ((0, NPAD - N), (0, 0)))
    pad_ids = N + (jnp.arange(EPAD - E, dtype=jnp.int32) % (NACC2 - N))
    src = jnp.concatenate([edge_index[0].astype(jnp.int32), pad_ids])
    dst = jnp.concatenate([edge_index[1].astype(jnp.int32), pad_ids])
    ec = jnp.stack([src, dst], 0).reshape(2, EPAD // CHUNK, CHUNK)
    ec = ec.swapaxes(0, 1).astype(jnp.int32)
    batch = jnp.pad(batch_idx, (0, NPAD - N), constant_values=127)
    batch = batch.reshape(NPAD, 1).astype(jnp.int32)
    b1r = b1.reshape(1, D)
    b2r = b2.reshape(1, D)
    bhr = bh.reshape(1, C)

    aggp1, degp = _sc_agg_deg(x_pad, ec)
    degt = jnp.pad(degp.T, ((0, NPAD - NACC2), (0, 0)))
    y2 = _tc_layer(aggp1, degt, W1, b1r, W2)
    aggp2 = _sc_agg(y2, ec)
    out = _tc_final(aggp2, degt, b2r, batch, Wh, bhr)
    return out

# --- scband reference (transcript-rebuilt; emitter-appended) ---
"""Pipeline reference for scband-graph-prediction-model-21835613733679 (READ-ONLY COPY).

The authoritative reference and input builder live on the scoring server;
editing this copy changes nothing except your own understanding.
"""

import jax, jax.numpy as jnp
import numpy as np

N, E, D, C, G = 10000, 320000, 128, 10, 64


def setup_inputs(seed: int = 0) -> dict:
    key = jax.random.key(seed)
    ks = jax.random.split(key, 10)
    x = jax.random.normal(ks[0], (N, D), dtype=jnp.float32)
    edge_index = jax.random.randint(ks[1], (2, E), 0, N)
    batch_idx = jnp.sort(jax.random.randint(ks[2], (N,), 0, G))
    s = 1.0 / np.sqrt(D)
    W1 = jax.random.uniform(ks[3], (D, D), jnp.float32, -s, s)
    b1 = jax.random.uniform(ks[4], (D,), jnp.float32, -s, s)
    W2 = jax.random.uniform(ks[5], (D, D), jnp.float32, -s, s)
    b2 = jax.random.uniform(ks[6], (D,), jnp.float32, -s, s)
    Wh = jax.random.uniform(ks[7], (D, C), jnp.float32, -s, s)
    bh = jax.random.uniform(ks[8], (C,), jnp.float32, -s, s)
    return {"x": x, "edge_index": edge_index, "batch_idx": batch_idx,
            "W1": W1, "b1": b1, "W2": W2, "b2": b2, "Wh": Wh, "bh": bh}


def reference(x, edge_index, batch_idx, W1, b1, W2, b2, Wh, bh):
    src = edge_index[0]
    dst = edge_index[1]
    n = x.shape[0]
    deg = jax.ops.segment_sum(jnp.ones((src.shape[0],), jnp.float32), dst, num_segments=n)
    deg = jnp.clip(deg, 1.0)[:, None]

    def gcn_layer(h, W, b):
        msg = h[src]                                   # gather (SparseCore)
        agg = jax.ops.segment_sum(msg, dst, num_segments=n)  # scatter-add
        agg = agg / deg                                # mean aggregation
        return jax.nn.relu(agg @ W + b)

    h = gcn_layer(x, W1, b1)
    h = gcn_layer(h, W2, b2)

    # global_mean_pool over graphs in batch
    pooled_sum = jax.ops.segment_sum(h, batch_idx, num_segments=G)
    counts = jax.ops.segment_sum(jnp.ones((n,), jnp.float32), batch_idx, num_segments=G)
    pooled = pooled_sum / jnp.clip(counts, 1.0)[:, None]

    # head: Dropout (identity in eval) + Linear
    out = pooled @ Wh + bh
    return out

if __name__ == "__main__":
    import jax
    _d = setup_inputs()
    print(jax.jit(kernel)(*tuple(_d.values())))

</pallas_src>

<mosaic_0001>
#map = affine_map<(d0, d1) -> (0, 0)>
#map1 = affine_map<(d0, d1) -> (0, 0, 0)>
module attributes {stable_mosaic.version = 14 : i64} {
  func.func @sc_agg(%arg0: i32, %arg1: i32, %arg2: memref<10240x128xf32, #tpu.memory_space<hbm>>, %arg3: memref<5120x2x64xi32, #tpu.memory_space<hbm>>, %arg4: memref<2x10240x128xf32, #tpu.memory_space<hbm>>, %arg5: memref<32x10112xf32, #tpu.memory_space<hbm>>, %arg6: memref<24x2x64xi32, #tpu.memory_space<vmem>>, %arg7: memref<256x128xf32, #tpu.memory_space<vmem>>, %arg8: memref<10240x128xf32, #tpu.memory_space<vmem_shared>>, %arg9: memref<!tpu.dma_semaphore, #tpu.memory_space<semaphore_mem>>, %arg10: memref<!tpu.dma_semaphore, #tpu.memory_space<semaphore_mem>>, %arg11: memref<!tpu.dma_semaphore, #tpu.memory_space<semaphore_mem>>, %arg12: memref<10112xf32, #tpu.memory_space<vmem>>) attributes {dimension_semantics = [#tpu.dimension_semantics<core_parallel>, #tpu.dimension_semantics<subcore_parallel>], iteration_bounds = array<i64: 2, 16>, scalar_prefetch = 0 : i64, scratch_operands = 7 : i64, tpu.core_type = #tpu.core_type<sc_vector_subcore>, window_params = [{transform_indices = #map}, {transform_indices = #map1}, {transform_indices = #map1}, {transform_indices = #map}]} {
    %mul3A = arith.constant 16 : i32
    %mul3A_0 = arith.muli %arg0, %mul3A : i32
    %add3A = arith.addi %mul3A_0, %arg1 : i32
    %mul3A_1 = arith.constant 640 : i32
    %mul3A_2 = arith.muli %arg1, %mul3A_1 : i32
    %broadcast_in_dim3A = arith.constant 0.000000e+00 : f32
    %broadcast_in_dim3A_3 = vector.broadcast %broadcast_in_dim3A : f32 to vector<16xf32>
    %broadcast_in_dim3A_4 = arith.constant 1.000000e+00 : f32
    %broadcast_in_dim3A_5 = vector.broadcast %broadcast_in_dim3A_4 : f32 to vector<16xf32>
    %scan3A = arith.constant 0 : i32
    %scan3A_6 = arith.constant 0 : i32
    %scan3A_7 = arith.constant 128 : i32
    %scan3A_8 = arith.addi %scan3A_6, %scan3A_7 : i32
    %scan3A_9 = arith.constant 1 : i32
    scf.for %scan3A_243 = %scan3A_6 to %scan3A_8 step %scan3A_9  : i32 {
      %swap3A = arith.index_cast %scan3A_243 : i32 to index
      %swap3A_244 = arith.constant 0 : index
      %swap3A_245 = tpu.vector_load %arg7[%swap3A, %swap3A_244] {strides = array<i32>} : memref<256x128xf32, #tpu.memory_space<vmem>>, vector<16xf32>,
      tpu.vector_store %arg7[%swap3A, %swap3A_244], %broadcast_in_dim3A_3 {strides = array<i32>} : memref<256x128xf32, #tpu.memory_space<vmem>>, vector<16xf32>,
      %swap3A_246 = arith.index_cast %scan3A_243 : i32 to index
      %swap3A_247 = arith.constant 16 : index
      %swap3A_248 = tpu.vector_load %arg7[%swap3A_246, %swap3A_247] {strides = array<i32>} : memref<256x128xf32, #tpu.memory_space<vmem>>, vector<16xf32>,
      tpu.vector_store %arg7[%swap3A_246, %swap3A_247], %broadcast_in_dim3A_3 {strides = array<i32>} : memref<256x128xf32, #tpu.memory_space<vmem>>, vector<16xf32>,
      %swap3A_249 = arith.index_cast %scan3A_243 : i32 to index
      %swap3A_250 = arith.constant 32 : index
      %swap3A_251 = tpu.vector_load %arg7[%swap3A_249, %swap3A_250] {strides = array<i32>} : memref<256x128xf32, #tpu.memory_space<vmem>>, vector<16xf32>,
      tpu.vector_store %arg7[%swap3A_249, %swap3A_250], %broadcast_in_dim3A_3 {strides = array<i32>} : memref<256x128xf32, #tpu.memory_space<vmem>>, vector<16xf32>,
      %swap3A_252 = arith.index_cast %scan3A_243 : i32 to index
      %swap3A_253 = arith.constant 48 : index
      %swap3A_254 = tpu.vector_load %arg7[%swap3A_252, %swap3A_253] {strides = array<i32>} : memref<256x128xf32, #tpu.memory_space<vmem>>, vector<16xf32>,
      tpu.vector_store %arg7[%swap3A_252, %swap3A_253], %broadcast_in_dim3A_3 {strides = array<i32>} : memref<256x128xf32, #tpu.memory_space<vmem>>, vector<16xf32>,
      %swap3A_255 = arith.index_cast %scan3A_243 : i32 to index
      %swap3A_256 = arith.constant 64 : index
      %swap3A_257 = tpu.vector_load %arg7[%swap3A_255, %swap3A_256] {strides = array<i32>} : memref<256x128xf32, #tpu.memory_space<vmem>>, vector<16xf32>,
      tpu.vector_store %arg7[%swap3A_255, %swap3A_256], %broadcast_in_dim3A_3 {strides = array<i32>} : memref<256x128xf32, #tpu.memory_space<vmem>>, vector<16xf32>,
      %swap3A_258 = arith.index_cast %scan3A_243 : i32 to index
      %swap3A_259 = arith.constant 80 : index
      %swap3A_260 = tpu.vector_load %arg7[%swap3A_258, %swap3A_259] {strides = array<i32>} : memref<256x128xf32, #tpu.memory_space<vmem>>, vector<16xf32>,
      tpu.vector_store %arg7[%swap3A_258, %swap3A_259], %broadcast_in_dim3A_3 {strides = array<i32>} : memref<256x128xf32, #tpu.memory_space<vmem>>, vector<16xf32>,
      %swap3A_261 = arith.index_cast %scan3A_243 : i32 to index
      %swap3A_262 = arith.constant 96 : index
      %swap3A_263 = tpu.vector_load %arg7[%swap3A_261, %swap3A_262] {strides = array<i32>} : memref<256x128xf32, #tpu.memory_space<vmem>>, vector<16xf32>,
      tpu.vector_store %arg7[%swap3A_261, %swap3A_262], %broadcast_in_dim3A_3 {strides = array<i32>} : memref<256x128xf32, #tpu.memory_space<vmem>>, vector<16xf32>,
      %swap3A_264 = arith.index_cast %scan3A_243 : i32 to index
      %swap3A_265 = arith.constant 112 : index
      %swap3A_266 = tpu.vector_load %arg7[%swap3A_264, %swap3A_265] {strides = array<i32>} : memref<256x128xf32, #tpu.memory_space<vmem>>, vector<16xf32>,
      tpu.vector_store %arg7[%swap3A_264, %swap3A_265], %broadcast_in_dim3A_3 {strides = array<i32>} : memref<256x128xf32, #tpu.memory_space<vmem>>, vector<16xf32>,
    }
    %scan3A_10 = arith.constant 128 : i32
    %add3A_11 = arith.constant 0 : i32
    %add3A_12 = arith.addi %mul3A_2, %add3A_11 : i32
    %dma_start3A = arith.constant 0 : i32
    %dma_start3A_13 = arith.constant 0 : i32
    %dma_start3A_14 = tpu.memref_slice %arg7[%dma_start3A, %dma_start3A_13] : memref<256x128xf32, #tpu.memory_space<vmem>> -> memref<128x128xf32, #tpu.memory_space<vmem>>
    %dma_start3A_15 = arith.constant 0 : i32
    %dma_start3A_16 = tpu.memref_slice %arg8[%add3A_12, %dma_start3A_15] : memref<10240x128xf32, #tpu.memory_space<vmem_shared>> -> memref<128x128xf32, #tpu.memory_space<vmem_shared>>
    %dma_start3A_17 = arith.constant 0 : i32
    %dma_start3A_18 = tpu.memref_slice %arg8[%add3A_12, %dma_start3A_17] : memref<10240x128xf32, #tpu.memory_space<vmem_shared>> -> memref<128x128xf32, #tpu.memory_space<vmem_shared>>
    %dma_start3A_19 = arith.constant 0 : i32
    %dma_start3A_20 = arith.constant 0 : i32
    %dma_start3A_21 = tpu.memref_slice %arg7[%dma_start3A_19, %dma_start3A_20] : memref<256x128xf32, #tpu.memory_space<vmem>> -> memref<128x128xf32, #tpu.memory_space<vmem>>
    tpu.enqueue_dma source(%dma_start3A_21 : memref<128x128xf32, #tpu.memory_space<vmem>>) target(%dma_start3A_18 : memref<128x128xf32, #tpu.memory_space<vmem_shared>>) target_semaphore(%arg9 : memref<!tpu.dma_semaphore, #tpu.memory_space<semaphore_mem>>)
    %add3A_22 = arith.constant 128 : i32
    %add3A_23 = arith.addi %mul3A_2, %add3A_22 : i32
    %dma_start3A_24 = arith.constant 0 : i32
    %dma_start3A_25 = arith.constant 0 : i32
    %dma_start3A_26 = tpu.memref_slice %arg7[%dma_start3A_24, %dma_start3A_25] : memref<256x128xf32, #tpu.memory_space<vmem>> -> memref<128x128xf32, #tpu.memory_space<vmem>>
    %dma_start3A_27 = arith.constant 0 : i32
    %dma_start3A_28 = tpu.memref_slice %arg8[%add3A_23, %dma_start3A_27] : memref<10240x128xf32, #tpu.memory_space<vmem_shared>> -> memref<128x128xf32, #tpu.memory_space<vmem_shared>>
    %dma_start3A_29 = arith.constant 0 : i32
    %dma_start3A_30 = tpu.memref_slice %arg8[%add3A_23, %dma_start3A_29] : memref<10240x128xf32, #tpu.memory_space<vmem_shared>> -> memref<128x128xf32, #tpu.memory_space<vmem_shared>>
    %dma_start3A_31 = arith.constant 0 : i32
    %dma_start3A_32 = arith.constant 0 : i32
    %dma_start3A_33 = tpu.memref_slice %arg7[%dma_start3A_31, %dma_start3A_32] : memref<256x128xf32, #tpu.memory_space<vmem>> -> memref<128x128xf32, #tpu.memory_space<vmem>>
    tpu.enqueue_dma source(%dma_start3A_33 : memref<128x128xf32, #tpu.memory_space<vmem>>) target(%dma_start3A_30 : memref<128x128xf32, #tpu.memory_space<vmem_shared>>) target_semaphore(%arg9 : memref<!tpu.dma_semaphore, #tpu.memory_space<semaphore_mem>>)
    %add3A_34 = arith.constant 256 : i32
    %add3A_35 = arith.addi %mul3A_2, %add3A_34 : i32
    %dma_start3A_36 = arith.constant 0 : i32
    %dma_start3A_37 = arith.constant 0 : i32
    %dma_start3A_38 = tpu.memref_slice %arg7[%dma_start3A_36, %dma_start3A_37] : memref<256x128xf32, #tpu.memory_space<vmem>> -> memref<128x128xf32, #tpu.memory_space<vmem>>
    %dma_start3A_39 = arith.constant 0 : i32
    %dma_start3A_40 = tpu.memref_slice %arg8[%add3A_35, %dma_start3A_39] : memref<10240x128xf32, #tpu.memory_space<vmem_shared>> -> memref<128x128xf32, #tpu.memory_space<vmem_shared>>
    %dma_start3A_41 = arith.constant 0 : i32
    %dma_start3A_42 = tpu.memref_slice %arg8[%add3A_35, %dma_start3A_41] : memref<10240x128xf32, #tpu.memory_space<vmem_shared>> -> memref<128x128xf32, #tpu.memory_space<vmem_shared>>
    %dma_start3A_43 = arith.constant 0 : i32
    %dma_start3A_44 = arith.constant 0 : i32
    %dma_start3A_45 = tpu.memref_slice %arg7[%dma_start3A_43, %dma_start3A_44] : memref<256x128xf32, #tpu.memory_space<vmem>> -> memref<128x128xf32, #tpu.memory_space<vmem>>
    tpu.enqueue_dma source(%dma_start3A_45 : memref<128x128xf32, #tpu.memory_space<vmem>>) target(%dma_start3A_42 : memref<128x128xf32, #tpu.memory_space<vmem_shared>>) target_semaphore(%arg9 : memref<!tpu.dma_semaphore, #tpu.memory_space<semaphore_mem>>)
    %add3A_46 = arith.constant 384 : i32
    %add3A_47 = arith.addi %mul3A_2, %add3A_46 : i32
    %dma_start3A_48 = arith.constant 0 : i32
    %dma_start3A_49 = arith.constant 0 : i32
    %dma_start3A_50 = tpu.memref_slice %arg7[%dma_start3A_48, %dma_start3A_49] : memref<256x128xf32, #tpu.memory_space<vmem>> -> memref<128x128xf32, #tpu.memory_space<vmem>>
    %dma_start3A_51 = arith.constant 0 : i32
    %dma_start3A_52 = tpu.memref_slice %arg8[%add3A_47, %dma_start3A_51] : memref<10240x128xf32, #tpu.memory_space<vmem_shared>> -> memref<128x128xf32, #tpu.memory_space<vmem_shared>>
    %dma_start3A_53 = arith.constant 0 : i32
    %dma_start3A_54 = tpu.memref_slice %arg8[%add3A_47, %dma_start3A_53] : memref<10240x128xf32, #tpu.memory_space<vmem_shared>> -> memref<128x128xf32, #tpu.memory_space<vmem_shared>>
    %dma_start3A_55 = arith.constant 0 : i32
    %dma_start3A_56 = arith.constant 0 : i32
    %dma_start3A_57 = tpu.memref_slice %arg7[%dma_start3A_55, %dma_start3A_56] : memref<256x128xf32, #tpu.memory_space<vmem>> -> memref<128x128xf32, #tpu.memory_space<vmem>>
    tpu.enqueue_dma source(%dma_start3A_57 : memref<128x128xf32, #tpu.memory_space<vmem>>) target(%dma_start3A_54 : memref<128x128xf32, #tpu.memory_space<vmem_shared>>) target_semaphore(%arg9 : memref<!tpu.dma_semaphore, #tpu.memory_space<semaphore_mem>>)
    %add3A_58 = arith.constant 512 : i32
    %add3A_59 = arith.addi %mul3A_2, %add3A_58 : i32
    %dma_start3A_60 = arith.constant 0 : i32
    %dma_start3A_61 = arith.constant 0 : i32
    %dma_start3A_62 = tpu.memref_slice %arg7[%dma_start3A_60, %dma_start3A_61] : memref<256x128xf32, #tpu.memory_space<vmem>> -> memref<128x128xf32, #tpu.memory_space<vmem>>
    %dma_start3A_63 = arith.constant 0 : i32
    %dma_start3A_64 = tpu.memref_slice %arg8[%add3A_59, %dma_start3A_63] : memref<10240x128xf32, #tpu.memory_space<vmem_shared>> -> memref<128x128xf32, #tpu.memory_space<vmem_shared>>
    %dma_start3A_65 = arith.constant 0 : i32
    %dma_start3A_66 = tpu.memref_slice %arg8[%add3A_59, %dma_start3A_65] : memref<10240x128xf32, #tpu.memory_space<vmem_shared>> -> memref<128x128xf32, #tpu.memory_space<vmem_shared>>
    %dma_start3A_67 = arith.constant 0 : i32
    %dma_start3A_68 = arith.constant 0 : i32
    %dma_start3A_69 = tpu.memref_slice %arg7[%dma_start3A_67, %dma_start3A_68] : memref<256x128xf32, #tpu.memory_space<vmem>> -> memref<128x128xf32, #tpu.memory_space<vmem>>
    tpu.enqueue_dma source(%dma_start3A_69 : memref<128x128xf32, #tpu.memory_space<vmem>>) target(%dma_start3A_66 : memref<128x128xf32, #tpu.memory_space<vmem_shared>>) target_semaphore(%arg9 : memref<!tpu.dma_semaphore, #tpu.memory_space<semaphore_mem>>)
    %dma_wait3A = arith.constant 0 : i32
    %dma_wait3A_70 = arith.constant 0 : i32
    %dma_wait3A_71 = tpu.memref_slice %arg7[%dma_wait3A, %dma_wait3A_70] : memref<256x128xf32, #tpu.memory_space<vmem>> -> memref<128x128xf32, #tpu.memory_space<vmem>>
    %dma_wait3A_72 = arith.constant 0 : i32
    %dma_wait3A_73 = tpu.memref_slice %arg8[%mul3A_2, %dma_wait3A_72] : memref<10240x128xf32, #tpu.memory_space<vmem_shared>> -> memref<128x128xf32, #tpu.memory_space<vmem_shared>>
    %dma_wait3A_74 = arith.constant 0 : i32
    %dma_wait3A_75 = tpu.memref_slice %arg8[%mul3A_2, %dma_wait3A_74] : memref<10240x128xf32, #tpu.memory_space<vmem_shared>> -> memref<128x128xf32, #tpu.memory_space<vmem_shared>>
    %dma_wait3A_76 = arith.constant 0 : i32
    %dma_wait3A_77 = arith.constant 0 : i32
    %dma_wait3A_78 = tpu.memref_slice %arg7[%dma_wait3A_76, %dma_wait3A_77] : memref<256x128xf32, #tpu.memory_space<vmem>> -> memref<128x128xf32, #tpu.memory_space<vmem>>
    tpu.wait_dma2 semaphore(%arg9 : memref<!tpu.dma_semaphore, #tpu.memory_space<semaphore_mem>>) src(%dma_wait3A_78 : memref<128x128xf32, #tpu.memory_space<vmem>>) dst(%dma_wait3A_75 : memref<128x128xf32, #tpu.memory_space<vmem_shared>>)
    %dma_wait3A_79 = arith.constant 0 : i32
    %dma_wait3A_80 = arith.constant 0 : i32
    %dma_wait3A_81 = tpu.memref_slice %arg7[%dma_wait3A_79, %dma_wait3A_80] : memref<256x128xf32, #tpu.memory_space<vmem>> -> memref<128x128xf32, #tpu.memory_space<vmem>>
    %dma_wait3A_82 = arith.constant 0 : i32
    %dma_wait3A_83 = tpu.memref_slice %arg8[%mul3A_2, %dma_wait3A_82] : memref<10240x128xf32, #tpu.memory_space<vmem_shared>> -> memref<128x128xf32, #tpu.memory_space<vmem_shared>>
    %dma_wait3A_84 = arith.constant 0 : i32
    %dma_wait3A_85 = tpu.memref_slice %arg8[%mul3A_2, %dma_wait3A_84] : memref<10240x128xf32, #tpu.memory_space<vmem_shared>> -> memref<128x128xf32, #tpu.memory_space<vmem_shared>>
    %dma_wait3A_86 = arith.constant 0 : i32
    %dma_wait3A_87 = arith.constant 0 : i32
    %dma_wait3A_88 = tpu.memref_slice %arg7[%dma_wait3A_86, %dma_wait3A_87] : memref<256x128xf32, #tpu.memory_space<vmem>> -> memref<128x128xf32, #tpu.memory_space<vmem>>
    tpu.wait_dma2 semaphore(%arg9 : memref<!tpu.dma_semaphore, #tpu.memory_space<semaphore_mem>>) src(%dma_wait3A_88 : memref<128x128xf32, #tpu.memory_space<vmem>>) dst(%dma_wait3A_85 : memref<128x128xf32, #tpu.memory_space<vmem_shared>>)
    %dma_wait3A_89 = arith.constant 0 : i32
    %dma_wait3A_90 = arith.constant 0 : i32
    %dma_wait3A_91 = tpu.memref_slice %arg7[%dma_wait3A_89, %dma_wait3A_90] : memref<256x128xf32, #tpu.memory_space<vmem>> -> memref<128x128xf32, #tpu.memory_space<vmem>>
    %dma_wait3A_92 = arith.constant 0 : i32
    %dma_wait3A_93 = tpu.memref_slice %arg8[%mul3A_2, %dma_wait3A_92] : memref<10240x128xf32, #tpu.memory_space<vmem_shared>> -> memref<128x128xf32, #tpu.memory_space<vmem_shared>>
    %dma_wait3A_94 = arith.constant 0 : i32
    %dma_wait3A_95 = tpu.memref_slice %arg8[%mul3A_2, %dma_wait3A_94] : memref<10240x128xf32, #tpu.memory_space<vmem_shared>> -> memref<128x128xf32, #tpu.memory_space<vmem_shared>>
    %dma_wait3A_96 = arith.constant 0 : i32
    %dma_wait3A_97 = arith.constant 0 : i32
    %dma_wait3A_98 = tpu.memref_slice %arg7[%dma_wait3A_96, %dma_wait3A_97] : memref<256x128xf32, #tpu.memory_space<vmem>> -> memref<128x128xf32, #tpu.memory_space<vmem>>
    tpu.wait_dma2 semaphore(%arg9 : memref<!tpu.dma_semaphore, #tpu.memory_space<semaphore_mem>>) src(%dma_wait3A_98 : memref<128x128xf32, #tpu.memory_space<vmem>>) dst(%dma_wait3A_95 : memref<128x128xf32, #tpu.memory_space<vmem_shared>>)
    %dma_wait3A_99 = arith.constant 0 : i32
    %dma_wait3A_100 = arith.constant 0 : i32
    %dma_wait3A_101 = tpu.memref_slice %arg7[%dma_wait3A_99, %dma_wait3A_100] : memref<256x128xf32, #tpu.memory_space<vmem>> -> memref<128x128xf32, #tpu.memory_space<vmem>>
    %dma_wait3A_102 = arith.constant 0 : i32
    %dma_wait3A_103 = tpu.memref_slice %arg8[%mul3A_2, %dma_wait3A_102] : memref<10240x128xf32, #tpu.memory_space<vmem_shared>> -> memref<128x128xf32, #tpu.memory_space<vmem_shared>>
    %dma_wait3A_104 = arith.constant 0 : i32
    %dma_wait3A_105 = tpu.memref_slice %arg8[%mul3A_2, %dma_wait3A_104] : memref<10240x128xf32, #tpu.memory_space<vmem_shared>> -> memref<128x128xf32, #tpu.memory_space<vmem_shared>>
    %dma_wait3A_106 = arith.constant 0 : i32
    %dma_wait3A_107 = arith.constant 0 : i32
    %dma_wait3A_108 = tpu.memref_slice %arg7[%dma_wait3A_106, %dma_wait3A_107] : memref<256x128xf32, #tpu.memory_space<vmem>> -> memref<128x128xf32, #tpu.memory_space<vmem>>
    tpu.wait_dma2 semaphore(%arg9 : memref<!tpu.dma_semaphore, #tpu.memory_space<semaphore_mem>>) src(%dma_wait3A_108 : memref<128x128xf32, #tpu.memory_space<vmem>>) dst(%dma_wait3A_105 : memref<128x128xf32, #tpu.memory_space<vmem_shared>>)
    %dma_wait3A_109 = arith.constant 0 : i32
    %dma_wait3A_110 = arith.constant 0 : i32
    %dma_wait3A_111 = tpu.memref_slice %arg7[%dma_wait3A_109, %dma_wait3A_110] : memref<256x128xf32, #tpu.memory_space<vmem>> -> memref<128x128xf32, #tpu.memory_space<vmem>>
    %dma_wait3A_112 = arith.constant 0 : i32
    %dma_wait3A_113 = tpu.memref_slice %arg8[%mul3A_2, %dma_wait3A_112] : memref<10240x128xf32, #tpu.memory_space<vmem_shared>> -> memref<128x128xf32, #tpu.memory_space<vmem_shared>>
    %dma_wait3A_114 = arith.constant 0 : i32
    %dma_wait3A_115 = tpu.memref_slice %arg8[%mul3A_2, %dma_wait3A_114] : memref<10240x128xf32, #tpu.memory_space<vmem_shared>> -> memref<128x128xf32, #tpu.memory_space<vmem_shared>>
    %dma_wait3A_116 = arith.constant 0 : i32
    %dma_wait3A_117 = arith.constant 0 : i32
    %dma_wait3A_118 = tpu.memref_slice %arg7[%dma_wait3A_116, %dma_wait3A_117] : memref<256x128xf32, #tpu.memory_space<vmem>> -> memref<128x128xf32, #tpu.memory_space<vmem>>
    tpu.wait_dma2 semaphore(%arg9 : memref<!tpu.dma_semaphore, #tpu.memory_space<semaphore_mem>>) src(%dma_wait3A_118 : memref<128x128xf32, #tpu.memory_space<vmem>>) dst(%dma_wait3A_115 : memref<128x128xf32, #tpu.memory_space<vmem_shared>>)
    %scan3A_119 = arith.constant 0 : i32
    %scan3A_120 = arith.constant 0 : i32
    %scan3A_121 = arith.constant 632 : i32
    %scan3A_122 = arith.addi %scan3A_120, %scan3A_121 : i32
    %scan3A_123 = arith.constant 1 : i32
    scf.for %scan3A_243 = %scan3A_120 to %scan3A_122 step %scan3A_123  : i32 {
      %mul3A_244 = arith.constant 16 : i32
      %mul3A_245 = arith.muli %scan3A_243, %mul3A_244 : i32
      %swap3A = arith.index_cast %mul3A_245 : i32 to index
      %swap3A_246 = tpu.vector_load %arg12[%swap3A] {strides = array<i32>} : memref<10112xf32, #tpu.memory_space<vmem>>, vector<16xf32>,
      tpu.vector_store %arg12[%swap3A], %broadcast_in_dim3A_3 {strides = array<i32>} : memref<10112xf32, #tpu.memory_space<vmem>>, vector<16xf32>,
    }
    %scan3A_124 = arith.constant 632 : i32
    %barrier3A = arith.constant 0 : index
    tpu.barrier barrier_id(%barrier3A)
    %mul3A_125 = arith.constant 160 : i32
    %mul3A_126 = arith.muli %add3A, %mul3A_125 : i32
    %add3A_127 = arith.constant 0 : i32
    %add3A_128 = arith.addi %mul3A_126, %add3A_127 : i32
    %dma_start3A_129 = arith.constant 0 : i32
    %dma_start3A_130 = arith.constant 0 : i32
    %dma_start3A_131 = arith.constant 0 : i32
    %dma_start3A_132 = tpu.memref_slice %arg6[%dma_start3A_129, %dma_start3A_130, %dma_start3A_131] : memref<24x2x64xi32, #tpu.memory_space<vmem>> -> memref<8x2x64xi32, #tpu.memory_space<vmem>>
    %dma_start3A_133 = arith.constant 0 : i32
    %dma_start3A_134 = arith.constant 0 : i32
    %dma_start3A_135 = tpu.memref_slice %arg3[%add3A_128, %dma_start3A_133, %dma_start3A_134] : memref<5120x2x64xi32, #tpu.memory_space<hbm>> -> memref<8x2x64xi32, #tpu.memory_space<hbm>>
    %dma_start3A_136 = arith.constant 0 : i32
    %dma_start3A_137 = arith.constant 0 : i32
    %dma_start3A_138 = arith.constant 0 : i32
    %dma_start3A_139 = tpu.memref_slice %arg6[%dma_start3A_136, %dma_start3A_137, %dma_start3A_138] : memref<24x2x64xi32, #tpu.memory_space<vmem>> -> memref<8x2x64xi32, #tpu.memory_space<vmem>>
    %dma_start3A_140 = arith.constant 0 : i32
    %dma_start3A_141 = arith.constant 0 : i32
    %dma_start3A_142 = tpu.memref_slice %arg3[%add3A_128, %dma_start3A_140, %dma_start3A_141] : memref<5120x2x64xi32, #tpu.memory_space<hbm>> -> memref<8x2x64xi32, #tpu.memory_space<hbm>>
    tpu.enqueue_dma source(%dma_start3A_142 : memref<8x2x64xi32, #tpu.memory_space<hbm>>) target(%dma_start3A_139 : memref<8x2x64xi32, #tpu.memory_space<vmem>>) target_semaphore(%arg11 : memref<!tpu.dma_semaphore, #tpu.memory_space<semaphore_mem>>)
    %add3A_143 = arith.constant 8 : i32
    %add3A_144 = arith.addi %mul3A_126, %add3A_143 : i32
    %dma_start3A_145 = arith.constant 8 : i32
    %dma_start3A_146 = arith.constant 0 : i32
    %dma_start3A_147 = arith.constant 0 : i32
    %dma_start3A_148 = tpu.memref_slice %arg6[%dma_start3A_145, %dma_start3A_146, %dma_start3A_147] : memref<24x2x64xi32, #tpu.memory_space<vmem>> -> memref<8x2x64xi32, #tpu.memory_space<vmem>>
    %dma_start3A_149 = arith.constant 0 : i32
    %dma_start3A_150 = arith.constant 0 : i32
    %dma_start3A_151 = tpu.memref_slice %arg3[%add3A_144, %dma_start3A_149, %dma_start3A_150] : memref<5120x2x64xi32, #tpu.memory_space<hbm>> -> memref<8x2x64xi32, #tpu.memory_space<hbm>>
    %dma_start3A_152 = arith.constant 8 : i32
    %dma_start3A_153 = arith.constant 0 : i32
    %dma_start3A_154 = arith.constant 0 : i32
    %dma_start3A_155 = tpu.memref_slice %arg6[%dma_start3A_152, %dma_start3A_153, %dma_start3A_154] : memref<24x2x64xi32, #tpu.memory_space<vmem>> -> memref<8x2x64xi32, #tpu.memory_space<vmem>>
    %dma_start3A_156 = arith.constant 0 : i32
    %dma_start3A_157 = arith.constant 0 : i32
    %dma_start3A_158 = tpu.memref_slice %arg3[%add3A_144, %dma_start3A_156, %dma_start3A_157] : memref<5120x2x64xi32, #tpu.memory_space<hbm>> -> memref<8x2x64xi32, #tpu.memory_space<hbm>>
    tpu.enqueue_dma source(%dma_start3A_158 : memref<8x2x64xi32, #tpu.memory_space<hbm>>) target(%dma_start3A_155 : memref<8x2x64xi32, #tpu.memory_space<vmem>>) target_semaphore(%arg11 : memref<!tpu.dma_semaphore, #tpu.memory_space<semaphore_mem>>)
    %dma_wait3A_159 = arith.constant 0 : i32
    %dma_wait3A_160 = arith.constant 0 : i32
    %dma_wait3A_161 = arith.constant 0 : i32
    %dma_wait3A_162 = tpu.memref_slice %arg6[%dma_wait3A_159, %dma_wait3A_160, %dma_wait3A_161] : memref<24x2x64xi32, #tpu.memory_space<vmem>> -> memref<8x2x64xi32, #tpu.memory_space<vmem>>
    %dma_wait3A_163 = arith.constant 0 : i32
    %dma_wait3A_164 = arith.constant 0 : i32
    %dma_wait3A_165 = arith.constant 0 : i32
    %dma_wait3A_166 = tpu.memref_slice %arg3[%dma_wait3A_163, %dma_wait3A_164, %dma_wait3A_165] : memref<5120x2x64xi32, #tpu.memory_space<hbm>> -> memref<8x2x64xi32, #tpu.memory_space<hbm>>
    %dma_wait3A_167 = arith.constant 0 : i32
    %dma_wait3A_168 = arith.constant 0 : i32
    %dma_wait3A_169 = arith.constant 0 : i32
    %dma_wait3A_170 = tpu.memref_slice %arg6[%dma_wait3A_167, %dma_wait3A_168, %dma_wait3A_169] : memref<24x2x64xi32, #tpu.memory_space<vmem>> -> memref<8x2x64xi32, #tpu.memory_space<vmem>>
    %dma_wait3A_171 = arith.constant 0 : i32
    %dma_wait3A_172 = arith.constant 0 : i32
    %dma_wait3A_173 = arith.constant 0 : i32
    %dma_wait3A_174 = tpu.memref_slice %arg3[%dma_wait3A_171, %dma_wait3A_172, %dma_wait3A_173] : memref<5120x2x64xi32, #tpu.memory_space<hbm>> -> memref<8x2x64xi32, #tpu.memory_space<hbm>>
    tpu.wait_dma2 semaphore(%arg11 : memref<!tpu.dma_semaphore, #tpu.memory_space<semaphore_mem>>) src(%dma_wait3A_174 : memref<8x2x64xi32, #tpu.memory_space<hbm>>) dst(%dma_wait3A_170 : memref<8x2x64xi32, #tpu.memory_space<vmem>>)
    %dma_wait3A_175 = arith.constant 0 : i32
    %dma_wait3A_176 = arith.constant 0 : i32
    %dma_wait3A_177 = arith.constant 0 : i32
    %dma_wait3A_178 = tpu.memref_slice %arg6[%dma_wait3A_175, %dma_wait3A_176, %dma_wait3A_177] : memref<24x2x64xi32, #tpu.memory_space<vmem>> -> memref<8x2x64xi32, #tpu.memory_space<vmem>>
    %dma_wait3A_179 = arith.constant 0 : i32
    %dma_wait3A_180 = arith.constant 0 : i32
    %dma_wait3A_181 = arith.constant 0 : i32
    %dma_wait3A_182 = tpu.memref_slice %arg3[%dma_wait3A_179, %dma_wait3A_180, %dma_wait3A_181] : memref<5120x2x64xi32, #tpu.memory_space<hbm>> -> memref<8x2x64xi32, #tpu.memory_space<hbm>>
    %dma_wait3A_183 = arith.constant 0 : i32
    %dma_wait3A_184 = arith.constant 0 : i32
    %dma_wait3A_185 = arith.constant 0 : i32
    %dma_wait3A_186 = tpu.memref_slice %arg6[%dma_wait3A_183, %dma_wait3A_184, %dma_wait3A_185] : memref<24x2x64xi32, #tpu.memory_space<vmem>> -> memref<8x2x64xi32, #tpu.memory_space<vmem>>
    %dma_wait3A_187 = arith.constant 0 : i32
    %dma_wait3A_188 = arith.constant 0 : i32
    %dma_wait3A_189 = arith.constant 0 : i32
    %dma_wait3A_190 = tpu.memref_slice %arg3[%dma_wait3A_187, %dma_wait3A_188, %dma_wait3A_189] : memref<5120x2x64xi32, #tpu.memory_space<hbm>> -> memref<8x2x64xi32, #tpu.memory_space<hbm>>
    tpu.wait_dma2 semaphore(%arg11 : memref<!tpu.dma_semaphore, #tpu.memory_space<semaphore_mem>>) src(%dma_wait3A_190 : memref<8x2x64xi32, #tpu.memory_space<hbm>>) dst(%dma_wait3A_186 : memref<8x2x64xi32, #tpu.memory_space<vmem>>)
    %dma_start3A_191 = arith.constant 0 : i32
    %dma_start3A_192 = arith.constant 0 : i32
    %dma_start3A_193 = arith.constant 0 : i32
    %dma_start3A_194 = arith.constant 0 : i32
    %dma_start3A_195 = tpu.memref_slice %arg7[%dma_start3A_193, %dma_start3A_194] : memref<256x128xf32, #tpu.memory_space<vmem>> -> memref<64x128xf32, #tpu.memory_space<vmem>>
    %dma_start3A_196 = arith.constant 0 : i32
    %dma_start3A_197 = tpu.memref_slice %arg6[%dma_start3A_191, %dma_start3A_192, %dma_start3A_196] : memref<24x2x64xi32, #tpu.memory_space<vmem>> -> memref<1x1x64xi32, #tpu.memory_space<vmem>>
    %dma_start3A_198 = tpu.memref_squeeze %dma_start3A_197 : memref<1x1x64xi32, #tpu.memory_space<vmem>> -> memref<64xi32, #tpu.memory_space<vmem>>
    %dma_start3A_199 = arith.constant 0 : i32
    %dma_start3A_200 = arith.constant 0 : i32
    %dma_start3A_201 = tpu.memref_slice %arg2[%dma_start3A_199, %dma_start3A_200] : memref<10240x128xf32, #tpu.memory_space<hbm>> -> memref<10240x128xf32, #tpu.memory_space<hbm>>
    tpu.enqueue_indirect_dma source(%dma_start3A_201 : memref<10240x128xf32, #tpu.memory_space<hbm>>) target(%dma_start3A_195 : memref<64x128xf32, #tpu.memory_space<vmem>>) offsets(%dma_start3A_198 : memref<64xi32, #tpu.memory_space<vmem>>) semaphore(%arg9 : memref<!tpu.dma_semaphore, #tpu.memory_space<semaphore_mem>>)
    %dma_start3A_202 = arith.constant 1 : i32
    %dma_start3A_203 = arith.constant 0 : i32
    %dma_start3A_204 = arith.constant 64 : i32
    %dma_start3A_205 = arith.constant 0 : i32
    %dma_start3A_206 = tpu.memref_slice %arg7[%dma_start3A_204, %dma_start3A_205] : memref<256x128xf32, #tpu.memory_space<vmem>> -> memref<64x128xf32, #tpu.memory_space<vmem>>
    %dma_start3A_207 = arith.constant 0 : i32
    %dma_start3A_208 = tpu.memref_slice %arg6[%dma_start3A_202, %dma_start3A_203, %dma_start3A_207] : memref<24x2x64xi32, #tpu.memory_space<vmem>> -> memref<1x1x64xi32, #tpu.memory_space<vmem>>
    %dma_start3A_209 = tpu.memref_squeeze %dma_start3A_208 : memref<1x1x64xi32, #tpu.memory_space<vmem>> -> memref<64xi32, #tpu.memory_space<vmem>>
    %dma_start3A_210 = arith.constant 0 : i32
    %dma_start3A_211 = arith.constant 0 : i32
    %dma_start3A_212 = tpu.memref_slice %arg2[%dma_start3A_210, %dma_start3A_211] : memref<10240x128xf32, #tpu.memory_space<hbm>> -> memref<10240x128xf32, #tpu.memory_space<hbm>>
    tpu.enqueue_indirect_dma source(%dma_start3A_212 : memref<10240x128xf32, #tpu.memory_space<hbm>>) target(%dma_start3A_206 : memref<64x128xf32, #tpu.memory_space<vmem>>) offsets(%dma_start3A_209 : memref<64xi32, #tpu.memory_space<vmem>>) semaphore(%arg9 : memref<!tpu.dma_semaphore, #tpu.memory_space<semaphore_mem>>)
    %dma_start3A_213 = arith.constant 2 : i32
    %dma_start3A_214 = arith.constant 0 : i32
    %dma_start3A_215 = arith.constant 128 : i32
    %dma_start3A_216 = arith.constant 0 : i32
    %dma_start3A_217 = tpu.memref_slice %arg7[%dma_start3A_215, %dma_start3A_216] : memref<256x128xf32, #tpu.memory_space<vmem>> -> memref<64x128xf32, #tpu.memory_space<vmem>>
    %dma_start3A_218 = arith.constant 0 : i32
    %dma_start3A_219 = tpu.memref_slice %arg6[%dma_start3A_213, %dma_start3A_214, %dma_start3A_218] : memref<24x2x64xi32, #tpu.memory_space<vmem>> -> memref<1x1x64xi32, #tpu.memory_space<vmem>>
    %dma_start3A_220 = tpu.memref_squeeze %dma_start3A_219 : memref<1x1x64xi32, #tpu.memory_space<vmem>> -> memref<64xi32, #tpu.memory_space<vmem>>
    %dma_start3A_221 = arith.constant 0 : i32
    %dma_start3A_222 = arith.constant 0 : i32
    %dma_start3A_223 = tpu.memref_slice %arg2[%dma_start3A_221, %dma_start3A_222] : memref<10240x128xf32, #tpu.memory_space<hbm>> -> memref<10240x128xf32, #tpu.memory_space<hbm>>
    tpu.enqueue_indirect_dma source(%dma_start3A_223 : memref<10240x128xf32, #tpu.memory_space<hbm>>) target(%dma_start3A_217 : memref<64x128xf32, #tpu.memory_space<vmem>>) offsets(%dma_start3A_220 : memref<64xi32, #tpu.memory_space<vmem>>) semaphore(%arg9 : memref<!tpu.dma_semaphore, #tpu.memory_space<semaphore_mem>>)
    %scan3A_224 = arith.constant 0 : i32
    %scan3A_225 = arith.constant 0 : i32
    %scan3A_226 = arith.constant 160 : i32
    %scan3A_227 = arith.addi %scan3A_225, %scan3A_226 : i32
    %scan3A_228 = arith.constant 1 : i32
    %scan3A_229 = scf.for %scan3A_243 = %scan3A_225 to %scan3A_227 step %scan3A_228 iter_args(%scan3A_244 = %scan3A_224) -> (i32)  : i32 {
      %jit3A = arith.constant 4 : i32
      %eq3A = arith.constant 0 : i32
      %eq3A_245 = arith.cmpi eq, %jit3A, %eq3A : i32
      %jit3A_246 = arith.constant 1 : i32
      %select_n3A = arith.select %eq3A_245, %jit3A_246, %jit3A : i32
      %rem3A = arith.remsi %scan3A_243, %select_n3A : i32
      %ne3A = arith.constant 0 : i32
      %ne3A_247 = arith.cmpi ne, %rem3A, %ne3A : i32
      %lt3A = arith.constant 0 : i32
      %lt3A_248 = arith.cmpi slt, %rem3A, %lt3A : i32
      %lt3A_249 = arith.constant 0 : i32
      %lt3A_250 = arith.cmpi slt, %select_n3A, %lt3A_249 : i32
      %ne3A_251 = arith.xori %lt3A_248, %lt3A_250 : i1
      %and3A = arith.andi %ne3A_251, %ne3A_247 : i1
      %add3A_252 = arith.addi %rem3A, %select_n3A : i32
      %select_n3A_253 = arith.select %and3A, %add3A_252, %rem3A : i32
      %mul3A_254 = arith.constant 64 : i32
      %mul3A_255 = arith.muli %select_n3A_253, %mul3A_254 : i32
      %dma_wait3A_256 = arith.constant 0 : i32
      %dma_wait3A_257 = arith.constant 0 : i32
      %dma_wait3A_258 = tpu.memref_slice %arg7[%mul3A_255, %dma_wait3A_257] : memref<256x128xf32, #tpu.memory_space<vmem>> -> memref<64x128xf32, #tpu.memory_space<vmem>>
      %dma_wait3A_259 = arith.constant 0 : i32
      %dma_wait3A_260 = tpu.memref_slice %arg6[%scan3A_244, %dma_wait3A_256, %dma_wait3A_259] : memref<24x2x64xi32, #tpu.memory_space<vmem>> -> memref<1x1x64xi32, #tpu.memory_space<vmem>>
      %dma_wait3A_261 = tpu.memref_squeeze %dma_wait3A_260 : memref<1x1x64xi32, #tpu.memory_space<vmem>> -> memref<64xi32, #tpu.memory_space<vmem>>
      %dma_wait3A_262 = arith.constant 0 : i32
      %dma_wait3A_263 = arith.constant 0 : i32
      %dma_wait3A_264 = tpu.memref_slice %arg2[%dma_wait3A_262, %dma_wait3A_263] : memref<10240x128xf32, #tpu.memory_space<hbm>> -> memref<10240x128xf32, #tpu.memory_space<hbm>>
      tpu.wait_indirect_dma semaphore(%arg9 : memref<!tpu.dma_semaphore, #tpu.memory_space<semaphore_mem>>) src(%dma_wait3A_264 : memref<10240x128xf32, #tpu.memory_space<hbm>>) dst(%dma_wait3A_258 : memref<64x128xf32, #tpu.memory_space<vmem>>)
      %dma_start3A_265 = arith.constant 1 : i32
      %dma_start3A_266 = arith.constant 0 : i32
      %dma_start3A_267 = tpu.memref_slice %arg7[%mul3A_255, %dma_start3A_266] : memref<256x128xf32, #tpu.memory_space<vmem>> -> memref<64x128xf32, #tpu.memory_space<vmem>>
      %dma_start3A_268 = arith.constant 0 : i32
      %dma_start3A_269 = tpu.memref_slice %arg6[%scan3A_244, %dma_start3A_265, %dma_start3A_268] : memref<24x2x64xi32, #tpu.memory_space<vmem>> -> memref<1x1x64xi32, #tpu.memory_space<vmem>>
      %dma_start3A_270 = tpu.memref_squeeze %dma_start3A_269 : memref<1x1x64xi32, #tpu.memory_space<vmem>> -> memref<64xi32, #tpu.memory_space<vmem>>
      %dma_start3A_271 = arith.constant 0 : i32
      %dma_start3A_272 = arith.constant 0 : i32
      %dma_start3A_273 = tpu.memref_slice %arg8[%dma_start3A_271, %dma_start3A_272] : memref<10240x128xf32, #tpu.memory_space<vmem_shared>> -> memref<10240x128xf32, #tpu.memory_space<vmem_shared>>
      tpu.enqueue_indirect_dma source(%dma_start3A_267 : memref<64x128xf32, #tpu.memory_space<vmem>>) target(%dma_start3A_273 : memref<10240x128xf32, #tpu.memory_space<vmem_shared>>) offsets(%dma_start3A_270 : memref<64xi32, #tpu.memory_space<vmem>>) semaphore(%arg10 : memref<!tpu.dma_semaphore, #tpu.memory_space<semaphore_mem>>) {add = true}
      %ge3A = arith.constant 1 : i32
      %ge3A_274 = arith.cmpi sge, %scan3A_243, %ge3A : i32
      %convert_element_type3A = arith.extui %ge3A_274 : i1 to i32
      %cond3A = arith.constant 0 : i32
      %cond3A_275 = arith.cmpi ne, %convert_element_type3A, %cond3A : i32
      scf.if %cond3A_275 {
        %dma_wait3A_370 = arith.constant 0 : i32
        %dma_wait3A_371 = arith.constant 1 : i32
        %dma_wait3A_372 = arith.constant 0 : i32
        %dma_wait3A_373 = arith.constant 0 : i32
        %dma_wait3A_374 = tpu.memref_slice %arg7[%dma_wait3A_372, %dma_wait3A_373] : memref<256x128xf32, #tpu.memory_space<vmem>> -> memref<64x128xf32, #tpu.memory_space<vmem>>
        %dma_wait3A_375 = arith.constant 0 : i32
        %dma_wait3A_376 = tpu.memref_slice %arg6[%dma_wait3A_370, %dma_wait3A_371, %dma_wait3A_375] : memref<24x2x64xi32, #tpu.memory_space<vmem>> -> memref<1x1x64xi32, #tpu.memory_space<vmem>>
        %dma_wait3A_377 = tpu.memref_squeeze %dma_wait3A_376 : memref<1x1x64xi32, #tpu.memory_space<vmem>> -> memref<64xi32, #tpu.memory_space<vmem>>
        %dma_wait3A_378 = arith.constant 0 : i32
        %dma_wait3A_379 = arith.constant 0 : i32
        %dma_wait3A_380 = tpu.memref_slice %arg8[%dma_wait3A_378, %dma_wait3A_379] : memref<10240x128xf32, #tpu.memory_space<vmem_shared>> -> memref<10240x128xf32, #tpu.memory_space<vmem_shared>>
        tpu.wait_indirect_dma semaphore(%arg10 : memref<!tpu.dma_semaphore, #tpu.memory_space<semaphore_mem>>) src(%dma_wait3A_374 : memref<64x128xf32, #tpu.memory_space<vmem>>) dst(%dma_wait3A_380 : memref<10240x128xf32, #tpu.memory_space<vmem_shared>>)
      } else {
      }
      %jit3A_276 = arith.constant 8 : i32
      %eq3A_277 = arith.constant 0 : i32
      %eq3A_278 = arith.cmpi eq, %jit3A_276, %eq3A_277 : i32
      %jit3A_279 = arith.constant 1 : i32
      %select_n3A_280 = arith.select %eq3A_278, %jit3A_279, %jit3A_276 : i32
      %rem3A_281 = arith.remsi %scan3A_243, %select_n3A_280 : i32
      %ne3A_282 = arith.constant 0 : i32
      %ne3A_283 = arith.cmpi ne, %rem3A_281, %ne3A_282 : i32
      %lt3A_284 = arith.constant 0 : i32
      %lt3A_285 = arith.cmpi slt, %rem3A_281, %lt3A_284 : i32
      %lt3A_286 = arith.constant 0 : i32
      %lt3A_287 = arith.cmpi slt, %select_n3A_280, %lt3A_286 : i32
      %ne3A_288 = arith.xori %lt3A_285, %lt3A_287 : i1
      %and3A_289 = arith.andi %ne3A_288, %ne3A_283 : i1
      %add3A_290 = arith.addi %rem3A_281, %select_n3A_280 : i32
      %select_n3A_291 = arith.select %and3A_289, %add3A_290, %rem3A_281 : i32
      %eq3A_292 = arith.constant 2 : i32
      %eq3A_293 = arith.cmpi eq, %select_n3A_291, %eq3A_292 : i32
      %lt3A_294 = arith.constant 144 : i32
      %lt3A_295 = arith.cmpi slt, %scan3A_243, %lt3A_294 : i32
      %and3A_296 = arith.andi %eq3A_293, %lt3A_295 : i1
      %convert_element_type3A_297 = arith.extui %and3A_296 : i1 to i32
      %cond3A_298 = arith.constant 0 : i32
      %cond3A_299 = arith.cmpi ne, %convert_element_type3A_297, %cond3A_298 : i32
      scf.if %cond3A_299 {
        %jit3A_370 = arith.constant 8 : i32
        %div3A = arith.divsi %scan3A_244, %jit3A_370 : i32
        %sign3A = arith.constant 0 : i32
        %sign3A_371 = arith.cmpi sgt, %scan3A_244, %sign3A : i32
        %sign3A_372 = arith.extui %sign3A_371 : i1 to i32
        %sign3A_373 = arith.constant 0 : i32
        %sign3A_374 = arith.cmpi slt, %scan3A_244, %sign3A_373 : i32
        %sign3A_375 = arith.extui %sign3A_374 : i1 to i32
        %sign3A_376 = arith.subi %sign3A_372, %sign3A_375 : i32
        %sign3A_377 = arith.constant 0 : i32
        %sign3A_378 = arith.cmpi sgt, %jit3A_370, %sign3A_377 : i32
        %sign3A_379 = arith.extui %sign3A_378 : i1 to i32
        %sign3A_380 = arith.constant 0 : i32
        %sign3A_381 = arith.cmpi slt, %jit3A_370, %sign3A_380 : i32
        %sign3A_382 = arith.extui %sign3A_381 : i1 to i32
        %sign3A_383 = arith.subi %sign3A_379, %sign3A_382 : i32
        %ne3A_384 = arith.cmpi ne, %sign3A_376, %sign3A_383 : i32
        %rem3A_385 = arith.remsi %scan3A_244, %jit3A_370 : i32
        %ne3A_386 = arith.constant 0 : i32
        %ne3A_387 = arith.cmpi ne, %rem3A_385, %ne3A_386 : i32
        %and3A_388 = arith.andi %ne3A_384, %ne3A_387 : i1
        %sub3A_389 = arith.constant 1 : i32
        %sub3A_390 = arith.subi %div3A, %sub3A_389 : i32
        %select_n3A_391 = arith.select %and3A_388, %sub3A_390, %div3A : i32
        %add3A_392 = arith.constant 2 : i32
        %add3A_393 = arith.addi %select_n3A_391, %add3A_392 : i32
        %ge3A_394 = arith.constant 3 : i32
        %ge3A_395 = arith.cmpi sge, %add3A_393, %ge3A_394 : i32
        %sub3A_396 = arith.constant 3 : i32
        %sub3A_397 = arith.subi %add3A_393, %sub3A_396 : i32
        %select_n3A_398 = arith.select %ge3A_395, %sub3A_397, %add3A_393 : i32
        %jit3A_399 = arith.constant 8 : i32
        %div3A_400 = arith.divsi %scan3A_243, %jit3A_399 : i32
        %sign3A_401 = arith.constant 0 : i32
        %sign3A_402 = arith.cmpi sgt, %scan3A_243, %sign3A_401 : i32
        %sign3A_403 = arith.extui %sign3A_402 : i1 to i32
        %sign3A_404 = arith.constant 0 : i32
        %sign3A_405 = arith.cmpi slt, %scan3A_243, %sign3A_404 : i32
        %sign3A_406 = arith.extui %sign3A_405 : i1 to i32
        %sign3A_407 = arith.subi %sign3A_403, %sign3A_406 : i32
        %sign3A_408 = arith.constant 0 : i32
        %sign3A_409 = arith.cmpi sgt, %jit3A_399, %sign3A_408 : i32
        %sign3A_410 = arith.extui %sign3A_409 : i1 to i32
        %sign3A_411 = arith.constant 0 : i32
        %sign3A_412 = arith.cmpi slt, %jit3A_399, %sign3A_411 : i32
        %sign3A_413 = arith.extui %sign3A_412 : i1 to i32
        %sign3A_414 = arith.subi %sign3A_410, %sign3A_413 : i32
        %ne3A_415 = arith.cmpi ne, %sign3A_407, %sign3A_414 : i32
        %rem3A_416 = arith.remsi %scan3A_243, %jit3A_399 : i32
        %ne3A_417 = arith.constant 0 : i32
        %ne3A_418 = arith.cmpi ne, %rem3A_416, %ne3A_417 : i32
        %and3A_419 = arith.andi %ne3A_415, %ne3A_418 : i1
        %sub3A_420 = arith.constant 1 : i32
        %sub3A_421 = arith.subi %div3A_400, %sub3A_420 : i32
        %select_n3A_422 = arith.select %and3A_419, %sub3A_421, %div3A_400 : i32
        %add3A_423 = arith.constant 2 : i32
        %add3A_424 = arith.addi %select_n3A_422, %add3A_423 : i32
        %mul3A_425 = arith.constant 8 : i32
        %mul3A_426 = arith.muli %add3A_424, %mul3A_425 : i32
        %add3A_427 = arith.addi %mul3A_126, %mul3A_426 : i32
        %mul3A_428 = arith.constant 8 : i32
        %mul3A_429 = arith.muli %select_n3A_398, %mul3A_428 : i32
        %dma_start3A_430 = arith.constant 0 : i32
        %dma_start3A_431 = arith.constant 0 : i32
        %dma_start3A_432 = tpu.memref_slice %arg6[%mul3A_429, %dma_start3A_430, %dma_start3A_431] : memref<24x2x64xi32, #tpu.memory_space<vmem>> -> memref<8x2x64xi32, #tpu.memory_space<vmem>>
        %dma_start3A_433 = arith.constant 0 : i32
        %dma_start3A_434 = arith.constant 0 : i32
        %dma_start3A_435 = tpu.memref_slice %arg3[%add3A_427, %dma_start3A_433, %dma_start3A_434] : memref<5120x2x64xi32, #tpu.memory_space<hbm>> -> memref<8x2x64xi32, #tpu.memory_space<hbm>>
        %dma_start3A_436 = arith.constant 0 : i32
        %dma_start3A_437 = arith.constant 0 : i32
        %dma_start3A_438 = tpu.memref_slice %arg6[%mul3A_429, %dma_start3A_436, %dma_start3A_437] : memref<24x2x64xi32, #tpu.memory_space<vmem>> -> memref<8x2x64xi32, #tpu.memory_space<vmem>>
        %dma_start3A_439 = arith.constant 0 : i32
        %dma_start3A_440 = arith.constant 0 : i32
        %dma_start3A_441 = tpu.memref_slice %arg3[%add3A_427, %dma_start3A_439, %dma_start3A_440] : memref<5120x2x64xi32, #tpu.memory_space<hbm>> -> memref<8x2x64xi32, #tpu.memory_space<hbm>>
        tpu.enqueue_dma source(%dma_start3A_441 : memref<8x2x64xi32, #tpu.memory_space<hbm>>) target(%dma_start3A_438 : memref<8x2x64xi32, #tpu.memory_space<vmem>>) target_semaphore(%arg11 : memref<!tpu.dma_semaphore, #tpu.memory_space<semaphore_mem>>)
      } else {
      }
      %add3A_300 = arith.constant 3 : i32
      %add3A_301 = arith.addi %scan3A_243, %add3A_300 : i32
      %add3A_302 = arith.constant 3 : i32
      %add3A_303 = arith.addi %scan3A_244, %add3A_302 : i32
      %ge3A_304 = arith.constant 24 : i32
      %ge3A_305 = arith.cmpi sge, %add3A_303, %ge3A_304 : i32
      %add3A_306 = arith.constant 3 : i32
      %add3A_307 = arith.addi %scan3A_244, %add3A_306 : i32
      %sub3A = arith.constant 24 : i32
      %sub3A_308 = arith.subi %add3A_307, %sub3A : i32
      %add3A_309 = arith.constant 3 : i32
      %add3A_310 = arith.addi %scan3A_244, %add3A_309 : i32
      %select_n3A_311 = arith.select %ge3A_305, %sub3A_308, %add3A_310 : i32
      %jit3A_312 = arith.constant 8 : i32
      %eq3A_313 = arith.constant 0 : i32
      %eq3A_314 = arith.cmpi eq, %jit3A_312, %eq3A_313 : i32
      %jit3A_315 = arith.constant 1 : i32
      %select_n3A_316 = arith.select %eq3A_314, %jit3A_315, %jit3A_312 : i32
      %rem3A_317 = arith.remsi %add3A_301, %select_n3A_316 : i32
      %ne3A_318 = arith.constant 0 : i32
      %ne3A_319 = arith.cmpi ne, %rem3A_317, %ne3A_318 : i32
      %lt3A_320 = arith.constant 0 : i32
      %lt3A_321 = arith.cmpi slt, %rem3A_317, %lt3A_320 : i32
      %lt3A_322 = arith.constant 0 : i32
      %lt3A_323 = arith.cmpi slt, %select_n3A_316, %lt3A_322 : i32
      %ne3A_324 = arith.xori %lt3A_321, %lt3A_323 : i1
      %and3A_325 = arith.andi %ne3A_324, %ne3A_319 : i1
      %add3A_326 = arith.addi %rem3A_317, %select_n3A_316 : i32
      %select_n3A_327 = arith.select %and3A_325, %add3A_326, %rem3A_317 : i32
      %eq3A_328 = arith.constant 0 : i32
      %eq3A_329 = arith.cmpi eq, %select_n3A_327, %eq3A_328 : i32
      %ge3A_330 = arith.constant 16 : i32
      %ge3A_331 = arith.cmpi sge, %add3A_301, %ge3A_330 : i32
      %and3A_332 = arith.andi %eq3A_329, %ge3A_331 : i1
      %le3A = arith.constant 159 : i32
      %le3A_333 = arith.cmpi sle, %add3A_301, %le3A : i32
      %and3A_334 = arith.andi %and3A_332, %le3A_333 : i1
      %convert_element_type3A_335 = arith.extui %and3A_334 : i1 to i32
      %cond3A_336 = arith.constant 0 : i32
      %cond3A_337 = arith.cmpi ne, %convert_element_type3A_335, %cond3A_336 : i32
      scf.if %cond3A_337 {
        %dma_wait3A_370 = arith.constant 0 : i32
        %dma_wait3A_371 = arith.constant 0 : i32
        %dma_wait3A_372 = arith.constant 0 : i32
        %dma_wait3A_373 = tpu.memref_slice %arg6[%dma_wait3A_370, %dma_wait3A_371, %dma_wait3A_372] : memref<24x2x64xi32, #tpu.memory_space<vmem>> -> memref<8x2x64xi32, #tpu.memory_space<vmem>>
        %dma_wait3A_374 = arith.constant 0 : i32
        %dma_wait3A_375 = arith.constant 0 : i32
        %dma_wait3A_376 = arith.constant 0 : i32
        %dma_wait3A_377 = tpu.memref_slice %arg3[%dma_wait3A_374, %dma_wait3A_375, %dma_wait3A_376] : memref<5120x2x64xi32, #tpu.memory_space<hbm>> -> memref<8x2x64xi32, #tpu.memory_space<hbm>>
        %dma_wait3A_378 = arith.constant 0 : i32
        %dma_wait3A_379 = arith.constant 0 : i32
        %dma_wait3A_380 = arith.constant 0 : i32
        %dma_wait3A_381 = tpu.memref_slice %arg6[%dma_wait3A_378, %dma_wait3A_379, %dma_wait3A_380] : memref<24x2x64xi32, #tpu.memory_space<vmem>> -> memref<8x2x64xi32, #tpu.memory_space<vmem>>
        %dma_wait3A_382 = arith.constant 0 : i32
        %dma_wait3A_383 = arith.constant 0 : i32
        %dma_wait3A_384 = arith.constant 0 : i32
        %dma_wait3A_385 = tpu.memref_slice %arg3[%dma_wait3A_382, %dma_wait3A_383, %dma_wait3A_384] : memref<5120x2x64xi32, #tpu.memory_space<hbm>> -> memref<8x2x64xi32, #tpu.memory_space<hbm>>
        tpu.wait_dma2 semaphore(%arg11 : memref<!tpu.dma_semaphore, #tpu.memory_space<semaphore_mem>>) src(%dma_wait3A_385 : memref<8x2x64xi32, #tpu.memory_space<hbm>>) dst(%dma_wait3A_381 : memref<8x2x64xi32, #tpu.memory_space<vmem>>)
      } else {
      }
      %le3A_338 = arith.constant 159 : i32
      %le3A_339 = arith.cmpi sle, %add3A_301, %le3A_338 : i32
      %convert_element_type3A_340 = arith.extui %le3A_339 : i1 to i32
      %cond3A_341 = arith.constant 0 : i32
      %cond3A_342 = arith.cmpi ne, %convert_element_type3A_340, %cond3A_341 : i32
      scf.if %cond3A_342 {
        %jit3A_370 = arith.constant 4 : i32
        %eq3A_371 = arith.constant 0 : i32
        %eq3A_372 = arith.cmpi eq, %jit3A_370, %eq3A_371 : i32
        %jit3A_373 = arith.constant 1 : i32
        %select_n3A_374 = arith.select %eq3A_372, %jit3A_373, %jit3A_370 : i32
        %rem3A_375 = arith.remsi %add3A_301, %select_n3A_374 : i32
        %ne3A_376 = arith.constant 0 : i32
        %ne3A_377 = arith.cmpi ne, %rem3A_375, %ne3A_376 : i32
        %lt3A_378 = arith.constant 0 : i32
        %lt3A_379 = arith.cmpi slt, %rem3A_375, %lt3A_378 : i32
        %lt3A_380 = arith.constant 0 : i32
        %lt3A_381 = arith.cmpi slt, %select_n3A_374, %lt3A_380 : i32
        %ne3A_382 = arith.xori %lt3A_379, %lt3A_381 : i1
        %and3A_383 = arith.andi %ne3A_382, %ne3A_377 : i1
        %add3A_384 = arith.addi %rem3A_375, %select_n3A_374 : i32
        %select_n3A_385 = arith.select %and3A_383, %add3A_384, %rem3A_375 : i32
        %mul3A_386 = arith.constant 64 : i32
        %mul3A_387 = arith.muli %select_n3A_385, %mul3A_386 : i32
        %dma_start3A_388 = arith.constant 0 : i32
        %dma_start3A_389 = arith.constant 0 : i32
        %dma_start3A_390 = tpu.memref_slice %arg7[%mul3A_387, %dma_start3A_389] : memref<256x128xf32, #tpu.memory_space<vmem>> -> memref<64x128xf32, #tpu.memory_space<vmem>>
        %dma_start3A_391 = arith.constant 0 : i32
        %dma_start3A_392 = tpu.memref_slice %arg6[%select_n3A_311, %dma_start3A_388, %dma_start3A_391] : memref<24x2x64xi32, #tpu.memory_space<vmem>> -> memref<1x1x64xi32, #tpu.memory_space<vmem>>
        %dma_start3A_393 = tpu.memref_squeeze %dma_start3A_392 : memref<1x1x64xi32, #tpu.memory_space<vmem>> -> memref<64xi32, #tpu.memory_space<vmem>>
        %dma_start3A_394 = arith.constant 0 : i32
        %dma_start3A_395 = arith.constant 0 : i32
        %dma_start3A_396 = tpu.memref_slice %arg2[%dma_start3A_394, %dma_start3A_395] : memref<10240x128xf32, #tpu.memory_space<hbm>> -> memref<10240x128xf32, #tpu.memory_space<hbm>>
        tpu.enqueue_indirect_dma source(%dma_start3A_396 : memref<10240x128xf32, #tpu.memory_space<hbm>>) target(%dma_start3A_390 : memref<64x128xf32, #tpu.memory_space<vmem>>) offsets(%dma_start3A_393 : memref<64xi32, #tpu.memory_space<vmem>>) semaphore(%arg9 : memref<!tpu.dma_semaphore, #tpu.memory_space<semaphore_mem>>)
      } else {
      }
      %get3A = arith.constant 1 : i32
      %get3A_343 = arith.index_cast %scan3A_244 : i32 to index
      %get3A_344 = arith.index_cast %get3A : i32 to index
      %get3A_345 = arith.constant 0 : index
      %get3A_346 = tpu.vector_load %arg6[%get3A_343, %get3A_344, %get3A_345] {strides = array<i32>} : memref<24x2x64xi32, #tpu.memory_space<vmem>>, vector<16xi32>,
      tpu.vector_store_idx %arg12[%get3A_346], %broadcast_in_dim3A_5 {add = true} : memref<10112xf32, #tpu.memory_space<vmem>>[vector<16xi32>], vector<16xf32>,
      %get3A_347 = arith.constant 1 : i32
      %get3A_348 = arith.index_cast %scan3A_244 : i32 to index
      %get3A_349 = arith.index_cast %get3A_347 : i32 to index
      %get3A_350 = arith.constant 16 : index
      %get3A_351 = tpu.vector_load %arg6[%get3A_348, %get3A_349, %get3A_350] {strides = array<i32>} : memref<24x2x64xi32, #tpu.memory_space<vmem>>, vector<16xi32>,
      tpu.vector_store_idx %arg12[%get3A_351], %broadcast_in_dim3A_5 {add = true} : memref<10112xf32, #tpu.memory_space<vmem>>[vector<16xi32>], vector<16xf32>,
      %get3A_352 = arith.constant 1 : i32
      %get3A_353 = arith.index_cast %scan3A_244 : i32 to index
      %get3A_354 = arith.index_cast %get3A_352 : i32 to index
      %get3A_355 = arith.constant 32 : index
      %get3A_356 = tpu.vector_load %arg6[%get3A_353, %get3A_354, %get3A_355] {strides = array<i32>} : memref<24x2x64xi32, #tpu.memory_space<vmem>>, vector<16xi32>,
      tpu.vector_store_idx %arg12[%get3A_356], %broadcast_in_dim3A_5 {add = true} : memref<10112xf32, #tpu.memory_space<vmem>>[vector<16xi32>], vector<16xf32>,
      %get3A_357 = arith.constant 1 : i32
      %get3A_358 = arith.index_cast %scan3A_244 : i32 to index
      %get3A_359 = arith.index_cast %get3A_357 : i32 to index
      %get3A_360 = arith.constant 48 : index
      %get3A_361 = tpu.vector_load %arg6[%get3A_358, %get3A_359, %get3A_360] {strides = array<i32>} : memref<24x2x64xi32, #tpu.memory_space<vmem>>, vector<16xi32>,
      tpu.vector_store_idx %arg12[%get3A_361], %broadcast_in_dim3A_5 {add = true} : memref<10112xf32, #tpu.memory_space<vmem>>[vector<16xi32>], vector<16xf32>,
      %add3A_362 = arith.constant 1 : i32
      %add3A_363 = arith.addi %scan3A_244, %add3A_362 : i32
      %ge3A_364 = arith.constant 24 : i32
      %ge3A_365 = arith.cmpi sge, %add3A_363, %ge3A_364 : i32
      %add3A_366 = arith.constant 1 : i32
      %add3A_367 = arith.addi %scan3A_244, %add3A_366 : i32
      %jit3A_368 = arith.constant 0 : i32
      %select_n3A_369 = arith.select %ge3A_365, %jit3A_368, %add3A_367 : i32
      scf.yield %select_n3A_369 : i32
    }
    %scan3A_230 = arith.constant 160 : i32
    %dma_wait3A_231 = arith.constant 0 : i32
    %dma_wait3A_232 = arith.constant 1 : i32
    %dma_wait3A_233 = arith.constant 0 : i32
    %dma_wait3A_234 = arith.constant 0 : i32
    %dma_wait3A_235 = tpu.memref_slice %arg7[%dma_wait3A_233, %dma_wait3A_234] : memref<256x128xf32, #tpu.memory_space<vmem>> -> memref<64x128xf32, #tpu.memory_space<vmem>>
    %dma_wait3A_236 = arith.constant 0 : i32
    %dma_wait3A_237 = tpu.memref_slice %arg6[%dma_wait3A_231, %dma_wait3A_232, %dma_wait3A_236] : memref<24x2x64xi32, #tpu.memory_space<vmem>> -> memref<1x1x64xi32, #tpu.memory_space<vmem>>
    %dma_wait3A_238 = tpu.memref_squeeze %dma_wait3A_237 : memref<1x1x64xi32, #tpu.memory_space<vmem>> -> memref<64xi32, #tpu.memory_space<vmem>>
    %dma_wait3A_239 = arith.constant 0 : i32
    %dma_wait3A_240 = arith.constant 0 : i32
    %dma_wait3A_241 = tpu.memref_slice %arg8[%dma_wait3A_239, %dma_wait3A_240] : memref<10240x128xf32, #tpu.memory_space<vmem_shared>> -> memref<10240x128xf32, #tpu.memory_space<vmem_shared>>
    tpu.wait_indirect_dma semaphore(%arg10 : memref<!tpu.dma_semaphore, #tpu.memory_space<semaphore_mem>>) src(%dma_wait3A_235 : memref<64x128xf32, #tpu.memory_space<vmem>>) dst(%dma_wait3A_241 : memref<10240x128xf32, #tpu.memory_space<vmem_shared>>)
    %barrier3A_242 = arith.constant 0 : index
    tpu.barrier barrier_id(%barrier3A_242)
    "tpu.region"() ({
      %run_scoped3A = tpu.sem_alloc : memref<!tpu.dma_semaphore, #tpu.memory_space<semaphore_mem>>
      %dma_start3A_243 = arith.constant 0 : i32
      %dma_start3A_244 = tpu.memref_slice %arg4[%arg0, %mul3A_2, %dma_start3A_243] : memref<2x10240x128xf32, #tpu.memory_space<hbm>> -> memref<1x640x128xf32, #tpu.memory_space<hbm>>
      %dma_start3A_245 = tpu.memref_squeeze %dma_start3A_244 : memref<1x640x128xf32, #tpu.memory_space<hbm>> -> memref<640x128xf32, #tpu.memory_space<hbm>>
      %dma_start3A_246 = arith.constant 0 : i32
      %dma_start3A_247 = tpu.memref_slice %arg8[%mul3A_2, %dma_start3A_246] : memref<10240x128xf32, #tpu.memory_space<vmem_shared>> -> memref<640x128xf32, #tpu.memory_space<vmem_shared>>
      tpu.enqueue_dma source(%dma_start3A_247 : memref<640x128xf32, #tpu.memory_space<vmem_shared>>) target(%dma_start3A_245 : memref<640x128xf32, #tpu.memory_space<hbm>>) target_semaphore(%run_scoped3A : memref<!tpu.dma_semaphore, #tpu.memory_space<semaphore_mem>>)
      %dma_wait3A_248 = arith.constant 0 : i32
      %dma_wait3A_249 = tpu.memref_slice %arg4[%arg0, %mul3A_2, %dma_wait3A_248] : memref<2x10240x128xf32, #tpu.memory_space<hbm>> -> memref<1x640x128xf32, #tpu.memory_space<hbm>>
      %dma_wait3A_250 = tpu.memref_squeeze %dma_wait3A_249 : memref<1x640x128xf32, #tpu.memory_space<hbm>> -> memref<640x128xf32, #tpu.memory_space<hbm>>
      %dma_wait3A_251 = arith.constant 0 : i32
      %dma_wait3A_252 = tpu.memref_slice %arg8[%mul3A_2, %dma_wait3A_251] : memref<10240x128xf32, #tpu.memory_space<vmem_shared>> -> memref<640x128xf32, #tpu.memory_space<vmem_shared>>
      tpu.wait_dma2 semaphore(%run_scoped3A : memref<!tpu.dma_semaphore, #tpu.memory_space<semaphore_mem>>) src(%dma_wait3A_252 : memref<640x128xf32, #tpu.memory_space<vmem_shared>>) dst(%dma_wait3A_250 : memref<640x128xf32, #tpu.memory_space<hbm>>)
      tpu.yield
    }) : () -> ()
    "tpu.region"() ({
      %run_scoped3A = tpu.sem_alloc : memref<!tpu.dma_semaphore, #tpu.memory_space<semaphore_mem>>
      %dma_start3A_243 = arith.constant 0 : i32
      %dma_start3A_244 = tpu.memref_slice %arg5[%add3A, %dma_start3A_243] : memref<32x10112xf32, #tpu.memory_space<hbm>> -> memref<1x10112xf32, #tpu.memory_space<hbm>>
      %dma_start3A_245 = tpu.memref_squeeze %dma_start3A_244 : memref<1x10112xf32, #tpu.memory_space<hbm>> -> memref<10112xf32, #tpu.memory_space<hbm>>
      %dma_start3A_246 = arith.constant 0 : i32
      %dma_start3A_247 = tpu.memref_slice %arg5[%add3A, %dma_start3A_246] : memref<32x10112xf32, #tpu.memory_space<hbm>> -> memref<1x10112xf32, #tpu.memory_space<hbm>>
      %dma_start3A_248 = tpu.memref_squeeze %dma_start3A_247 : memref<1x10112xf32, #tpu.memory_space<hbm>> -> memref<10112xf32, #tpu.memory_space<hbm>>
      tpu.enqueue_dma source(%arg12 : memref<10112xf32, #tpu.memory_space<vmem>>) target(%dma_start3A_248 : memref<10112xf32, #tpu.memory_space<hbm>>) target_semaphore(%run_scoped3A : memref<!tpu.dma_semaphore, #tpu.memory_space<semaphore_mem>>)
      %dma_wait3A_249 = arith.constant 0 : i32
      %dma_wait3A_250 = tpu.memref_slice %arg5[%add3A, %dma_wait3A_249] : memref<32x10112xf32, #tpu.memory_space<hbm>> -> memref<1x10112xf32, #tpu.memory_space<hbm>>
      %dma_wait3A_251 = tpu.memref_squeeze %dma_wait3A_250 : memref<1x10112xf32, #tpu.memory_space<hbm>> -> memref<10112xf32, #tpu.memory_space<hbm>>
      %dma_wait3A_252 = arith.constant 0 : i32
      %dma_wait3A_253 = tpu.memref_slice %arg5[%add3A, %dma_wait3A_252] : memref<32x10112xf32, #tpu.memory_space<hbm>> -> memref<1x10112xf32, #tpu.memory_space<hbm>>
      %dma_wait3A_254 = tpu.memref_squeeze %dma_wait3A_253 : memref<1x10112xf32, #tpu.memory_space<hbm>> -> memref<10112xf32, #tpu.memory_space<hbm>>
      tpu.wait_dma2 semaphore(%run_scoped3A : memref<!tpu.dma_semaphore, #tpu.memory_space<semaphore_mem>>) src(%arg12 : memref<10112xf32, #tpu.memory_space<vmem>>) dst(%dma_wait3A_254 : memref<10112xf32, #tpu.memory_space<hbm>>)
      tpu.yield
    }) : () -> ()
    return
  }
}

#map = affine_map<(d0, d1) -> (0, 0)>
#map1 = affine_map<(d0, d1) -> (0, 0, 0)>
module attributes {stable_mosaic.version = 14 : i64} {
  func.func @sc_agg(%arg0: i32, %arg1: i32, %arg2: memref<10240x128xf32, #tpu.memory_space<hbm>>, %arg3: memref<5120x2x64xi32, #tpu.memory_space<hbm>>, %arg4: memref<2x10240x128xf32, #tpu.memory_space<hbm>>, %arg5: memref<24x2x64xi32, #tpu.memory_space<vmem>>, %arg6: memref<256x128xf32, #tpu.memory_space<vmem>>, %arg7: memref<10240x128xf32, #tpu.memory_space<vmem_shared>>, %arg8: memref<!tpu.dma_semaphore, #tpu.memory_space<semaphore_mem>>, %arg9: memref<!tpu.dma_semaphore, #tpu.memory_space<semaphore_mem>>, %arg10: memref<!tpu.dma_semaphore, #tpu.memory_space<semaphore_mem>>) attributes {dimension_semantics = [#tpu.dimension_semantics<core_parallel>, #tpu.dimension_semantics<subcore_parallel>], iteration_bounds = array<i64: 2, 16>, scalar_prefetch = 0 : i64, scratch_operands = 6 : i64, tpu.core_type = #tpu.core_type<sc_vector_subcore>, window_params = [{transform_indices = #map}, {transform_indices = #map1}, {transform_indices = #map1}]} {
    %mul3A = arith.constant 16 : i32
    %mul3A_0 = arith.muli %arg0, %mul3A : i32
    %add3A = arith.addi %mul3A_0, %arg1 : i32
    %mul3A_1 = arith.constant 640 : i32
    %mul3A_2 = arith.muli %arg1, %mul3A_1 : i32
    %broadcast_in_dim3A = arith.constant 0.000000e+00 : f32
    %broadcast_in_dim3A_3 = vector.broadcast %broadcast_in_dim3A : f32 to vector<16xf32>
    %broadcast_in_dim3A_4 = arith.constant 1.000000e+00 : f32
    %broadcast_in_dim3A_5 = vector.broadcast %broadcast_in_dim3A_4 : f32 to vector<16xf32>
    %scan3A = arith.constant 0 : i32
    %scan3A_6 = arith.constant 0 : i32
    %scan3A_7 = arith.constant 128 : i32
    %scan3A_8 = arith.addi %scan3A_6, %scan3A_7 : i32
    %scan3A_9 = arith.constant 1 : i32
    scf.for %scan3A_237 = %scan3A_6 to %scan3A_8 step %scan3A_9  : i32 {
      %swap3A = arith.index_cast %scan3A_237 : i32 to index
      %swap3A_238 = arith.constant 0 : index
      %swap3A_239 = tpu.vector_load %arg6[%swap3A, %swap3A_238] {strides = array<i32>} : memref<256x128xf32, #tpu.memory_space<vmem>>, vector<16xf32>,
      tpu.vector_store %arg6[%swap3A, %swap3A_238], %broadcast_in_dim3A_3 {strides = array<i32>} : memref<256x128xf32, #tpu.memory_space<vmem>>, vector<16xf32>,
      %swap3A_240 = arith.index_cast %scan3A_237 : i32 to index
      %swap3A_241 = arith.constant 16 : index
      %swap3A_242 = tpu.vector_load %arg6[%swap3A_240, %swap3A_241] {strides = array<i32>} : memref<256x128xf32, #tpu.memory_space<vmem>>, vector<16xf32>,
      tpu.vector_store %arg6[%swap3A_240, %swap3A_241], %broadcast_in_dim3A_3 {strides = array<i32>} : memref<256x128xf32, #tpu.memory_space<vmem>>, vector<16xf32>,
      %swap3A_243 = arith.index_cast %scan3A_237 : i32 to index
      %swap3A_244 = arith.constant 32 : index
      %swap3A_245 = tpu.vector_load %arg6[%swap3A_243, %swap3A_244] {strides = array<i32>} : memref<256x128xf32, #tpu.memory_space<vmem>>, vector<16xf32>,
      tpu.vector_store %arg6[%swap3A_243, %swap3A_244], %broadcast_in_dim3A_3 {strides = array<i32>} : memref<256x128xf32, #tpu.memory_space<vmem>>, vector<16xf32>,
      %swap3A_246 = arith.index_cast %scan3A_237 : i32 to index
      %swap3A_247 = arith.constant 48 : index
      %swap3A_248 = tpu.vector_load %arg6[%swap3A_246, %swap3A_247] {strides = array<i32>} : memref<256x128xf32, #tpu.memory_space<vmem>>, vector<16xf32>,
      tpu.vector_store %arg6[%swap3A_246, %swap3A_247], %broadcast_in_dim3A_3 {strides = array<i32>} : memref<256x128xf32, #tpu.memory_space<vmem>>, vector<16xf32>,
      %swap3A_249 = arith.index_cast %scan3A_237 : i32 to index
      %swap3A_250 = arith.constant 64 : index
      %swap3A_251 = tpu.vector_load %arg6[%swap3A_249, %swap3A_250] {strides = array<i32>} : memref<256x128xf32, #tpu.memory_space<vmem>>, vector<16xf32>,
      tpu.vector_store %arg6[%swap3A_249, %swap3A_250], %broadcast_in_dim3A_3 {strides = array<i32>} : memref<256x128xf32, #tpu.memory_space<vmem>>, vector<16xf32>,
      %swap3A_252 = arith.index_cast %scan3A_237 : i32 to index
      %swap3A_253 = arith.constant 80 : index
      %swap3A_254 = tpu.vector_load %arg6[%swap3A_252, %swap3A_253] {strides = array<i32>} : memref<256x128xf32, #tpu.memory_space<vmem>>, vector<16xf32>,
      tpu.vector_store %arg6[%swap3A_252, %swap3A_253], %broadcast_in_dim3A_3 {strides = array<i32>} : memref<256x128xf32, #tpu.memory_space<vmem>>, vector<16xf32>,
      %swap3A_255 = arith.index_cast %scan3A_237 : i32 to index
      %swap3A_256 = arith.constant 96 : index
      %swap3A_257 = tpu.vector_load %arg6[%swap3A_255, %swap3A_256] {strides = array<i32>} : memref<256x128xf32, #tpu.memory_space<vmem>>, vector<16xf32>,
      tpu.vector_store %arg6[%swap3A_255, %swap3A_256], %broadcast_in_dim3A_3 {strides = array<i32>} : memref<256x128xf32, #tpu.memory_space<vmem>>, vector<16xf32>,
      %swap3A_258 = arith.index_cast %scan3A_237 : i32 to index
      %swap3A_259 = arith.constant 112 : index
      %swap3A_260 = tpu.vector_load %arg6[%swap3A_258, %swap3A_259] {strides = array<i32>} : memref<256x128xf32, #tpu.memory_space<vmem>>, vector<16xf32>,
      tpu.vector_store %arg6[%swap3A_258, %swap3A_259], %broadcast_in_dim3A_3 {strides = array<i32>} : memref<256x128xf32, #tpu.memory_space<vmem>>, vector<16xf32>,
    }
    %scan3A_10 = arith.constant 128 : i32
    %add3A_11 = arith.constant 0 : i32
    %add3A_12 = arith.addi %mul3A_2, %add3A_11 : i32
    %dma_start3A = arith.constant 0 : i32
    %dma_start3A_13 = arith.constant 0 : i32
    %dma_start3A_14 = tpu.memref_slice %arg6[%dma_start3A, %dma_start3A_13] : memref<256x128xf32, #tpu.memory_space<vmem>> -> memref<128x128xf32, #tpu.memory_space<vmem>>
    %dma_start3A_15 = arith.constant 0 : i32
    %dma_start3A_16 = tpu.memref_slice %arg7[%add3A_12, %dma_start3A_15] : memref<10240x128xf32, #tpu.memory_space<vmem_shared>> -> memref<128x128xf32, #tpu.memory_space<vmem_shared>>
    %dma_start3A_17 = arith.constant 0 : i32
    %dma_start3A_18 = tpu.memref_slice %arg7[%add3A_12, %dma_start3A_17] : memref<10240x128xf32, #tpu.memory_space<vmem_shared>> -> memref<128x128xf32, #tpu.memory_space<vmem_shared>>
    %dma_start3A_19 = arith.constant 0 : i32
    %dma_start3A_20 = arith.constant 0 : i32
    %dma_start3A_21 = tpu.memref_slice %arg6[%dma_start3A_19, %dma_start3A_20] : memref<256x128xf32, #tpu.memory_space<vmem>> -> memref<128x128xf32, #tpu.memory_space<vmem>>
    tpu.enqueue_dma source(%dma_start3A_21 : memref<128x128xf32, #tpu.memory_space<vmem>>) target(%dma_start3A_18 : memref<128x128xf32, #tpu.memory_space<vmem_shared>>) target_semaphore(%arg8 : memref<!tpu.dma_semaphore, #tpu.memory_space<semaphore_mem>>)
    %add3A_22 = arith.constant 128 : i32
    %add3A_23 = arith.addi %mul3A_2, %add3A_22 : i32
    %dma_start3A_24 = arith.constant 0 : i32
    %dma_start3A_25 = arith.constant 0 : i32
    %dma_start3A_26 = tpu.memref_slice %arg6[%dma_start3A_24, %dma_start3A_25] : memref<256x128xf32, #tpu.memory_space<vmem>> -> memref<128x128xf32, #tpu.memory_space<vmem>>
    %dma_start3A_27 = arith.constant 0 : i32
    %dma_start3A_28 = tpu.memref_slice %arg7[%add3A_23, %dma_start3A_27] : memref<10240x128xf32, #tpu.memory_space<vmem_shared>> -> memref<128x128xf32, #tpu.memory_space<vmem_shared>>
    %dma_start3A_29 = arith.constant 0 : i32
    %dma_start3A_30 = tpu.memref_slice %arg7[%add3A_23, %dma_start3A_29] : memref<10240x128xf32, #tpu.memory_space<vmem_shared>> -> memref<128x128xf32, #tpu.memory_space<vmem_shared>>
    %dma_start3A_31 = arith.constant 0 : i32
    %dma_start3A_32 = arith.constant 0 : i32
    %dma_start3A_33 = tpu.memref_slice %arg6[%dma_start3A_31, %dma_start3A_32] : memref<256x128xf32, #tpu.memory_space<vmem>> -> memref<128x128xf32, #tpu.memory_space<vmem>>
    tpu.enqueue_dma source(%dma_start3A_33 : memref<128x128xf32, #tpu.memory_space<vmem>>) target(%dma_start3A_30 : memref<128x128xf32, #tpu.memory_space<vmem_shared>>) target_semaphore(%arg8 : memref<!tpu.dma_semaphore, #tpu.memory_space<semaphore_mem>>)
    %add3A_34 = arith.constant 256 : i32
    %add3A_35 = arith.addi %mul3A_2, %add3A_34 : i32
    %dma_start3A_36 = arith.constant 0 : i32
    %dma_start3A_37 = arith.constant 0 : i32
    %dma_start3A_38 = tpu.memref_slice %arg6[%dma_start3A_36, %dma_start3A_37] : memref<256x128xf32, #tpu.memory_space<vmem>> -> memref<128x128xf32, #tpu.memory_space<vmem>>
    %dma_start3A_39 = arith.constant 0 : i32
    %dma_start3A_40 = tpu.memref_slice %arg7[%add3A_35, %dma_start3A_39] : memref<10240x128xf32, #tpu.memory_space<vmem_shared>> -> memref<128x128xf32, #tpu.memory_space<vmem_shared>>
    %dma_start3A_41 = arith.constant 0 : i32
    %dma_start3A_42 = tpu.memref_slice %arg7[%add3A_35, %dma_start3A_41] : memref<10240x128xf32, #tpu.memory_space<vmem_shared>> -> memref<128x128xf32, #tpu.memory_space<vmem_shared>>
    %dma_start3A_43 = arith.constant 0 : i32
    %dma_start3A_44 = arith.constant 0 : i32
    %dma_start3A_45 = tpu.memref_slice %arg6[%dma_start3A_43, %dma_start3A_44] : memref<256x128xf32, #tpu.memory_space<vmem>> -> memref<128x128xf32, #tpu.memory_space<vmem>>
    tpu.enqueue_dma source(%dma_start3A_45 : memref<128x128xf32, #tpu.memory_space<vmem>>) target(%dma_start3A_42 : memref<128x128xf32, #tpu.memory_space<vmem_shared>>) target_semaphore(%arg8 : memref<!tpu.dma_semaphore, #tpu.memory_space<semaphore_mem>>)
    %add3A_46 = arith.constant 384 : i32
    %add3A_47 = arith.addi %mul3A_2, %add3A_46 : i32
    %dma_start3A_48 = arith.constant 0 : i32
    %dma_start3A_49 = arith.constant 0 : i32
    %dma_start3A_50 = tpu.memref_slice %arg6[%dma_start3A_48, %dma_start3A_49] : memref<256x128xf32, #tpu.memory_space<vmem>> -> memref<128x128xf32, #tpu.memory_space<vmem>>
    %dma_start3A_51 = arith.constant 0 : i32
    %dma_start3A_52 = tpu.memref_slice %arg7[%add3A_47, %dma_start3A_51] : memref<10240x128xf32, #tpu.memory_space<vmem_shared>> -> memref<128x128xf32, #tpu.memory_space<vmem_shared>>
    %dma_start3A_53 = arith.constant 0 : i32
    %dma_start3A_54 = tpu.memref_slice %arg7[%add3A_47, %dma_start3A_53] : memref<10240x128xf32, #tpu.memory_space<vmem_shared>> -> memref<128x128xf32, #tpu.memory_space<vmem_shared>>
    %dma_start3A_55 = arith.constant 0 : i32
    %dma_start3A_56 = arith.constant 0 : i32
    %dma_start3A_57 = tpu.memref_slice %arg6[%dma_start3A_55, %dma_start3A_56] : memref<256x128xf32, #tpu.memory_space<vmem>> -> memref<128x128xf32, #tpu.memory_space<vmem>>
    tpu.enqueue_dma source(%dma_start3A_57 : memref<128x128xf32, #tpu.memory_space<vmem>>) target(%dma_start3A_54 : memref<128x128xf32, #tpu.memory_space<vmem_shared>>) target_semaphore(%arg8 : memref<!tpu.dma_semaphore, #tpu.memory_space<semaphore_mem>>)
    %add3A_58 = arith.constant 512 : i32
    %add3A_59 = arith.addi %mul3A_2, %add3A_58 : i32
    %dma_start3A_60 = arith.constant 0 : i32
    %dma_start3A_61 = arith.constant 0 : i32
    %dma_start3A_62 = tpu.memref_slice %arg6[%dma_start3A_60, %dma_start3A_61] : memref<256x128xf32, #tpu.memory_space<vmem>> -> memref<128x128xf32, #tpu.memory_space<vmem>>
    %dma_start3A_63 = arith.constant 0 : i32
    %dma_start3A_64 = tpu.memref_slice %arg7[%add3A_59, %dma_start3A_63] : memref<10240x128xf32, #tpu.memory_space<vmem_shared>> -> memref<128x128xf32, #tpu.memory_space<vmem_shared>>
    %dma_start3A_65 = arith.constant 0 : i32
    %dma_start3A_66 = tpu.memref_slice %arg7[%add3A_59, %dma_start3A_65] : memref<10240x128xf32, #tpu.memory_space<vmem_shared>> -> memref<128x128xf32, #tpu.memory_space<vmem_shared>>
    %dma_start3A_67 = arith.constant 0 : i32
    %dma_start3A_68 = arith.constant 0 : i32
    %dma_start3A_69 = tpu.memref_slice %arg6[%dma_start3A_67, %dma_start3A_68] : memref<256x128xf32, #tpu.memory_space<vmem>> -> memref<128x128xf32, #tpu.memory_space<vmem>>
    tpu.enqueue_dma source(%dma_start3A_69 : memref<128x128xf32, #tpu.memory_space<vmem>>) target(%dma_start3A_66 : memref<128x128xf32, #tpu.memory_space<vmem_shared>>) target_semaphore(%arg8 : memref<!tpu.dma_semaphore, #tpu.memory_space<semaphore_mem>>)
    %dma_wait3A = arith.constant 0 : i32
    %dma_wait3A_70 = arith.constant 0 : i32
    %dma_wait3A_71 = tpu.memref_slice %arg6[%dma_wait3A, %dma_wait3A_70] : memref<256x128xf32, #tpu.memory_space<vmem>> -> memref<128x128xf32, #tpu.memory_space<vmem>>
    %dma_wait3A_72 = arith.constant 0 : i32
    %dma_wait3A_73 = tpu.memref_slice %arg7[%mul3A_2, %dma_wait3A_72] : memref<10240x128xf32, #tpu.memory_space<vmem_shared>> -> memref<128x128xf32, #tpu.memory_space<vmem_shared>>
    %dma_wait3A_74 = arith.constant 0 : i32
    %dma_wait3A_75 = tpu.memref_slice %arg7[%mul3A_2, %dma_wait3A_74] : memref<10240x128xf32, #tpu.memory_space<vmem_shared>> -> memref<128x128xf32, #tpu.memory_space<vmem_shared>>
    %dma_wait3A_76 = arith.constant 0 : i32
    %dma_wait3A_77 = arith.constant 0 : i32
    %dma_wait3A_78 = tpu.memref_slice %arg6[%dma_wait3A_76, %dma_wait3A_77] : memref<256x128xf32, #tpu.memory_space<vmem>> -> memref<128x128xf32, #tpu.memory_space<vmem>>
    tpu.wait_dma2 semaphore(%arg8 : memref<!tpu.dma_semaphore, #tpu.memory_space<semaphore_mem>>) src(%dma_wait3A_78 : memref<128x128xf32, #tpu.memory_space<vmem>>) dst(%dma_wait3A_75 : memref<128x128xf32, #tpu.memory_space<vmem_shared>>)
    %dma_wait3A_79 = arith.constant 0 : i32
    %dma_wait3A_80 = arith.constant 0 : i32
    %dma_wait3A_81 = tpu.memref_slice %arg6[%dma_wait3A_79, %dma_wait3A_80] : memref<256x128xf32, #tpu.memory_space<vmem>> -> memref<128x128xf32, #tpu.memory_space<vmem>>
    %dma_wait3A_82 = arith.constant 0 : i32
    %dma_wait3A_83 = tpu.memref_slice %arg7[%mul3A_2, %dma_wait3A_82] : memref<10240x128xf32, #tpu.memory_space<vmem_shared>> -> memref<128x128xf32, #tpu.memory_space<vmem_shared>>
    %dma_wait3A_84 = arith.constant 0 : i32
    %dma_wait3A_85 = tpu.memref_slice %arg7[%mul3A_2, %dma_wait3A_84] : memref<10240x128xf32, #tpu.memory_space<vmem_shared>> -> memref<128x128xf32, #tpu.memory_space<vmem_shared>>
    %dma_wait3A_86 = arith.constant 0 : i32
    %dma_wait3A_87 = arith.constant 0 : i32
    %dma_wait3A_88 = tpu.memref_slice %arg6[%dma_wait3A_86, %dma_wait3A_87] : memref<256x128xf32, #tpu.memory_space<vmem>> -> memref<128x128xf32, #tpu.memory_space<vmem>>
    tpu.wait_dma2 semaphore(%arg8 : memref<!tpu.dma_semaphore, #tpu.memory_space<semaphore_mem>>) src(%dma_wait3A_88 : memref<128x128xf32, #tpu.memory_space<vmem>>) dst(%dma_wait3A_85 : memref<128x128xf32, #tpu.memory_space<vmem_shared>>)
    %dma_wait3A_89 = arith.constant 0 : i32
    %dma_wait3A_90 = arith.constant 0 : i32
    %dma_wait3A_91 = tpu.memref_slice %arg6[%dma_wait3A_89, %dma_wait3A_90] : memref<256x128xf32, #tpu.memory_space<vmem>> -> memref<128x128xf32, #tpu.memory_space<vmem>>
    %dma_wait3A_92 = arith.constant 0 : i32
    %dma_wait3A_93 = tpu.memref_slice %arg7[%mul3A_2, %dma_wait3A_92] : memref<10240x128xf32, #tpu.memory_space<vmem_shared>> -> memref<128x128xf32, #tpu.memory_space<vmem_shared>>
    %dma_wait3A_94 = arith.constant 0 : i32
    %dma_wait3A_95 = tpu.memref_slice %arg7[%mul3A_2, %dma_wait3A_94] : memref<10240x128xf32, #tpu.memory_space<vmem_shared>> -> memref<128x128xf32, #tpu.memory_space<vmem_shared>>
    %dma_wait3A_96 = arith.constant 0 : i32
    %dma_wait3A_97 = arith.constant 0 : i32
    %dma_wait3A_98 = tpu.memref_slice %arg6[%dma_wait3A_96, %dma_wait3A_97] : memref<256x128xf32, #tpu.memory_space<vmem>> -> memref<128x128xf32, #tpu.memory_space<vmem>>
    tpu.wait_dma2 semaphore(%arg8 : memref<!tpu.dma_semaphore, #tpu.memory_space<semaphore_mem>>) src(%dma_wait3A_98 : memref<128x128xf32, #tpu.memory_space<vmem>>) dst(%dma_wait3A_95 : memref<128x128xf32, #tpu.memory_space<vmem_shared>>)
    %dma_wait3A_99 = arith.constant 0 : i32
    %dma_wait3A_100 = arith.constant 0 : i32
    %dma_wait3A_101 = tpu.memref_slice %arg6[%dma_wait3A_99, %dma_wait3A_100] : memref<256x128xf32, #tpu.memory_space<vmem>> -> memref<128x128xf32, #tpu.memory_space<vmem>>
    %dma_wait3A_102 = arith.constant 0 : i32
    %dma_wait3A_103 = tpu.memref_slice %arg7[%mul3A_2, %dma_wait3A_102] : memref<10240x128xf32, #tpu.memory_space<vmem_shared>> -> memref<128x128xf32, #tpu.memory_space<vmem_shared>>
    %dma_wait3A_104 = arith.constant 0 : i32
    %dma_wait3A_105 = tpu.memref_slice %arg7[%mul3A_2, %dma_wait3A_104] : memref<10240x128xf32, #tpu.memory_space<vmem_shared>> -> memref<128x128xf32, #tpu.memory_space<vmem_shared>>
    %dma_wait3A_106 = arith.constant 0 : i32
    %dma_wait3A_107 = arith.constant 0 : i32
    %dma_wait3A_108 = tpu.memref_slice %arg6[%dma_wait3A_106, %dma_wait3A_107] : memref<256x128xf32, #tpu.memory_space<vmem>> -> memref<128x128xf32, #tpu.memory_space<vmem>>
    tpu.wait_dma2 semaphore(%arg8 : memref<!tpu.dma_semaphore, #tpu.memory_space<semaphore_mem>>) src(%dma_wait3A_108 : memref<128x128xf32, #tpu.memory_space<vmem>>) dst(%dma_wait3A_105 : memref<128x128xf32, #tpu.memory_space<vmem_shared>>)
    %dma_wait3A_109 = arith.constant 0 : i32
    %dma_wait3A_110 = arith.constant 0 : i32
    %dma_wait3A_111 = tpu.memref_slice %arg6[%dma_wait3A_109, %dma_wait3A_110] : memref<256x128xf32, #tpu.memory_space<vmem>> -> memref<128x128xf32, #tpu.memory_space<vmem>>
    %dma_wait3A_112 = arith.constant 0 : i32
    %dma_wait3A_113 = tpu.memref_slice %arg7[%mul3A_2, %dma_wait3A_112] : memref<10240x128xf32, #tpu.memory_space<vmem_shared>> -> memref<128x128xf32, #tpu.memory_space<vmem_shared>>
    %dma_wait3A_114 = arith.constant 0 : i32
    %dma_wait3A_115 = tpu.memref_slice %arg7[%mul3A_2, %dma_wait3A_114] : memref<10240x128xf32, #tpu.memory_space<vmem_shared>> -> memref<128x128xf32, #tpu.memory_space<vmem_shared>>
    %dma_wait3A_116 = arith.constant 0 : i32
    %dma_wait3A_117 = arith.constant 0 : i32
    %dma_wait3A_118 = tpu.memref_slice %arg6[%dma_wait3A_116, %dma_wait3A_117] : memref<256x128xf32, #tpu.memory_space<vmem>> -> memref<128x128xf32, #tpu.memory_space<vmem>>
    tpu.wait_dma2 semaphore(%arg8 : memref<!tpu.dma_semaphore, #tpu.memory_space<semaphore_mem>>) src(%dma_wait3A_118 : memref<128x128xf32, #tpu.memory_space<vmem>>) dst(%dma_wait3A_115 : memref<128x128xf32, #tpu.memory_space<vmem_shared>>)
    %barrier3A = arith.constant 0 : index
    tpu.barrier barrier_id(%barrier3A)
    %mul3A_119 = arith.constant 160 : i32
    %mul3A_120 = arith.muli %add3A, %mul3A_119 : i32
    %add3A_121 = arith.constant 0 : i32
    %add3A_122 = arith.addi %mul3A_120, %add3A_121 : i32
    %dma_start3A_123 = arith.constant 0 : i32
    %dma_start3A_124 = arith.constant 0 : i32
    %dma_start3A_125 = arith.constant 0 : i32
    %dma_start3A_126 = tpu.memref_slice %arg5[%dma_start3A_123, %dma_start3A_124, %dma_start3A_125] : memref<24x2x64xi32, #tpu.memory_space<vmem>> -> memref<8x2x64xi32, #tpu.memory_space<vmem>>
    %dma_start3A_127 = arith.constant 0 : i32
    %dma_start3A_128 = arith.constant 0 : i32
    %dma_start3A_129 = tpu.memref_slice %arg3[%add3A_122, %dma_start3A_127, %dma_start3A_128] : memref<5120x2x64xi32, #tpu.memory_space<hbm>> -> memref<8x2x64xi32, #tpu.memory_space<hbm>>
    %dma_start3A_130 = arith.constant 0 : i32
    %dma_start3A_131 = arith.constant 0 : i32
    %dma_start3A_132 = arith.constant 0 : i32
    %dma_start3A_133 = tpu.memref_slice %arg5[%dma_start3A_130, %dma_start3A_131, %dma_start3A_132] : memref<24x2x64xi32, #tpu.memory_space<vmem>> -> memref<8x2x64xi32, #tpu.memory_space<vmem>>
    %dma_start3A_134 = arith.constant 0 : i32
    %dma_start3A_135 = arith.constant 0 : i32
    %dma_start3A_136 = tpu.memref_slice %arg3[%add3A_122, %dma_start3A_134, %dma_start3A_135] : memref<5120x2x64xi32, #tpu.memory_space<hbm>> -> memref<8x2x64xi32, #tpu.memory_space<hbm>>
    tpu.enqueue_dma source(%dma_start3A_136 : memref<8x2x64xi32, #tpu.memory_space<hbm>>) target(%dma_start3A_133 : memref<8x2x64xi32, #tpu.memory_space<vmem>>) target_semaphore(%arg10 : memref<!tpu.dma_semaphore, #tpu.memory_space<semaphore_mem>>)
    %add3A_137 = arith.constant 8 : i32
    %add3A_138 = arith.addi %mul3A_120, %add3A_137 : i32
    %dma_start3A_139 = arith.constant 8 : i32
    %dma_start3A_140 = arith.constant 0 : i32
    %dma_start3A_141 = arith.constant 0 : i32
    %dma_start3A_142 = tpu.memref_slice %arg5[%dma_start3A_139, %dma_start3A_140, %dma_start3A_141] : memref<24x2x64xi32, #tpu.memory_space<vmem>> -> memref<8x2x64xi32, #tpu.memory_space<vmem>>
    %dma_start3A_143 = arith.constant 0 : i32
    %dma_start3A_144 = arith.constant 0 : i32
    %dma_start3A_145 = tpu.memref_slice %arg3[%add3A_138, %dma_start3A_143, %dma_start3A_144] : memref<5120x2x64xi32, #tpu.memory_space<hbm>> -> memref<8x2x64xi32, #tpu.memory_space<hbm>>
    %dma_start3A_146 = arith.constant 8 : i32
    %dma_start3A_147 = arith.constant 0 : i32
    %dma_start3A_148 = arith.constant 0 : i32
    %dma_start3A_149 = tpu.memref_slice %arg5[%dma_start3A_146, %dma_start3A_147, %dma_start3A_148] : memref<24x2x64xi32, #tpu.memory_space<vmem>> -> memref<8x2x64xi32, #tpu.memory_space<vmem>>
    %dma_start3A_150 = arith.constant 0 : i32
    %dma_start3A_151 = arith.constant 0 : i32
    %dma_start3A_152 = tpu.memref_slice %arg3[%add3A_138, %dma_start3A_150, %dma_start3A_151] : memref<5120x2x64xi32, #tpu.memory_space<hbm>> -> memref<8x2x64xi32, #tpu.memory_space<hbm>>
    tpu.enqueue_dma source(%dma_start3A_152 : memref<8x2x64xi32, #tpu.memory_space<hbm>>) target(%dma_start3A_149 : memref<8x2x64xi32, #tpu.memory_space<vmem>>) target_semaphore(%arg10 : memref<!tpu.dma_semaphore, #tpu.memory_space<semaphore_mem>>)
    %dma_wait3A_153 = arith.constant 0 : i32
    %dma_wait3A_154 = arith.constant 0 : i32
    %dma_wait3A_155 = arith.constant 0 : i32
    %dma_wait3A_156 = tpu.memref_slice %arg5[%dma_wait3A_153, %dma_wait3A_154, %dma_wait3A_155] : memref<24x2x64xi32, #tpu.memory_space<vmem>> -> memref<8x2x64xi32, #tpu.memory_space<vmem>>
    %dma_wait3A_157 = arith.constant 0 : i32
    %dma_wait3A_158 = arith.constant 0 : i32
    %dma_wait3A_159 = arith.constant 0 : i32
    %dma_wait3A_160 = tpu.memref_slice %arg3[%dma_wait3A_157, %dma_wait3A_158, %dma_wait3A_159] : memref<5120x2x64xi32, #tpu.memory_space<hbm>> -> memref<8x2x64xi32, #tpu.memory_space<hbm>>
    %dma_wait3A_161 = arith.constant 0 : i32
    %dma_wait3A_162 = arith.constant 0 : i32
    %dma_wait3A_163 = arith.constant 0 : i32
    %dma_wait3A_164 = tpu.memref_slice %arg5[%dma_wait3A_161, %dma_wait3A_162, %dma_wait3A_163] : memref<24x2x64xi32, #tpu.memory_space<vmem>> -> memref<8x2x64xi32, #tpu.memory_space<vmem>>
    %dma_wait3A_165 = arith.constant 0 : i32
    %dma_wait3A_166 = arith.constant 0 : i32
    %dma_wait3A_167 = arith.constant 0 : i32
    %dma_wait3A_168 = tpu.memref_slice %arg3[%dma_wait3A_165, %dma_wait3A_166, %dma_wait3A_167] : memref<5120x2x64xi32, #tpu.memory_space<hbm>> -> memref<8x2x64xi32, #tpu.memory_space<hbm>>
    tpu.wait_dma2 semaphore(%arg10 : memref<!tpu.dma_semaphore, #tpu.memory_space<semaphore_mem>>) src(%dma_wait3A_168 : memref<8x2x64xi32, #tpu.memory_space<hbm>>) dst(%dma_wait3A_164 : memref<8x2x64xi32, #tpu.memory_space<vmem>>)
    %dma_wait3A_169 = arith.constant 0 : i32
    %dma_wait3A_170 = arith.constant 0 : i32
    %dma_wait3A_171 = arith.constant 0 : i32
    %dma_wait3A_172 = tpu.memref_slice %arg5[%dma_wait3A_169, %dma_wait3A_170, %dma_wait3A_171] : memref<24x2x64xi32, #tpu.memory_space<vmem>> -> memref<8x2x64xi32, #tpu.memory_space<vmem>>
    %dma_wait3A_173 = arith.constant 0 : i32
    %dma_wait3A_174 = arith.constant 0 : i32
    %dma_wait3A_175 = arith.constant 0 : i32
    %dma_wait3A_176 = tpu.memref_slice %arg3[%dma_wait3A_173, %dma_wait3A_174, %dma_wait3A_175] : memref<5120x2x64xi32, #tpu.memory_space<hbm>> -> memref<8x2x64xi32, #tpu.memory_space<hbm>>
    %dma_wait3A_177 = arith.constant 0 : i32
    %dma_wait3A_178 = arith.constant 0 : i32
    %dma_wait3A_179 = arith.constant 0 : i32
    %dma_wait3A_180 = tpu.memref_slice %arg5[%dma_wait3A_177, %dma_wait3A_178, %dma_wait3A_179] : memref<24x2x64xi32, #tpu.memory_space<vmem>> -> memref<8x2x64xi32, #tpu.memory_space<vmem>>
    %dma_wait3A_181 = arith.constant 0 : i32
    %dma_wait3A_182 = arith.constant 0 : i32
    %dma_wait3A_183 = arith.constant 0 : i32
    %dma_wait3A_184 = tpu.memref_slice %arg3[%dma_wait3A_181, %dma_wait3A_182, %dma_wait3A_183] : memref<5120x2x64xi32, #tpu.memory_space<hbm>> -> memref<8x2x64xi32, #tpu.memory_space<hbm>>
    tpu.wait_dma2 semaphore(%arg10 : memref<!tpu.dma_semaphore, #tpu.memory_space<semaphore_mem>>) src(%dma_wait3A_184 : memref<8x2x64xi32, #tpu.memory_space<hbm>>) dst(%dma_wait3A_180 : memref<8x2x64xi32, #tpu.memory_space<vmem>>)
    %dma_start3A_185 = arith.constant 0 : i32
    %dma_start3A_186 = arith.constant 0 : i32
    %dma_start3A_187 = arith.constant 0 : i32
    %dma_start3A_188 = arith.constant 0 : i32
    %dma_start3A_189 = tpu.memref_slice %arg6[%dma_start3A_187, %dma_start3A_188] : memref<256x128xf32, #tpu.memory_space<vmem>> -> memref<64x128xf32, #tpu.memory_space<vmem>>
    %dma_start3A_190 = arith.constant 0 : i32
    %dma_start3A_191 = tpu.memref_slice %arg5[%dma_start3A_185, %dma_start3A_186, %dma_start3A_190] : memref<24x2x64xi32, #tpu.memory_space<vmem>> -> memref<1x1x64xi32, #tpu.memory_space<vmem>>
    %dma_start3A_192 = tpu.memref_squeeze %dma_start3A_191 : memref<1x1x64xi32, #tpu.memory_space<vmem>> -> memref<64xi32, #tpu.memory_space<vmem>>
    %dma_start3A_193 = arith.constant 0 : i32
    %dma_start3A_194 = arith.constant 0 : i32
    %dma_start3A_195 = tpu.memref_slice %arg2[%dma_start3A_193, %dma_start3A_194] : memref<10240x128xf32, #tpu.memory_space<hbm>> -> memref<10240x128xf32, #tpu.memory_space<hbm>>
    tpu.enqueue_indirect_dma source(%dma_start3A_195 : memref<10240x128xf32, #tpu.memory_space<hbm>>) target(%dma_start3A_189 : memref<64x128xf32, #tpu.memory_space<vmem>>) offsets(%dma_start3A_192 : memref<64xi32, #tpu.memory_space<vmem>>) semaphore(%arg8 : memref<!tpu.dma_semaphore, #tpu.memory_space<semaphore_mem>>)
    %dma_start3A_196 = arith.constant 1 : i32
    %dma_start3A_197 = arith.constant 0 : i32
    %dma_start3A_198 = arith.constant 64 : i32
    %dma_start3A_199 = arith.constant 0 : i32
    %dma_start3A_200 = tpu.memref_slice %arg6[%dma_start3A_198, %dma_start3A_199] : memref<256x128xf32, #tpu.memory_space<vmem>> -> memref<64x128xf32, #tpu.memory_space<vmem>>
    %dma_start3A_201 = arith.constant 0 : i32
    %dma_start3A_202 = tpu.memref_slice %arg5[%dma_start3A_196, %dma_start3A_197, %dma_start3A_201] : memref<24x2x64xi32, #tpu.memory_space<vmem>> -> memref<1x1x64xi32, #tpu.memory_space<vmem>>
    %dma_start3A_203 = tpu.memref_squeeze %dma_start3A_202 : memref<1x1x64xi32, #tpu.memory_space<vmem>> -> memref<64xi32, #tpu.memory_space<vmem>>
    %dma_start3A_204 = arith.constant 0 : i32
    %dma_start3A_205 = arith.constant 0 : i32
    %dma_start3A_206 = tpu.memref_slice %arg2[%dma_start3A_204, %dma_start3A_205] : memref<10240x128xf32, #tpu.memory_space<hbm>> -> memref<10240x128xf32, #tpu.memory_space<hbm>>
    tpu.enqueue_indirect_dma source(%dma_start3A_206 : memref<10240x128xf32, #tpu.memory_space<hbm>>) target(%dma_start3A_200 : memref<64x128xf32, #tpu.memory_space<vmem>>) offsets(%dma_start3A_203 : memref<64xi32, #tpu.memory_space<vmem>>) semaphore(%arg8 : memref<!tpu.dma_semaphore, #tpu.memory_space<semaphore_mem>>)
    %dma_start3A_207 = arith.constant 2 : i32
    %dma_start3A_208 = arith.constant 0 : i32
    %dma_start3A_209 = arith.constant 128 : i32
    %dma_start3A_210 = arith.constant 0 : i32
    %dma_start3A_211 = tpu.memref_slice %arg6[%dma_start3A_209, %dma_start3A_210] : memref<256x128xf32, #tpu.memory_space<vmem>> -> memref<64x128xf32, #tpu.memory_space<vmem>>
    %dma_start3A_212 = arith.constant 0 : i32
    %dma_start3A_213 = tpu.memref_slice %arg5[%dma_start3A_207, %dma_start3A_208, %dma_start3A_212] : memref<24x2x64xi32, #tpu.memory_space<vmem>> -> memref<1x1x64xi32, #tpu.memory_space<vmem>>
    %dma_start3A_214 = tpu.memref_squeeze %dma_start3A_213 : memref<1x1x64xi32, #tpu.memory_space<vmem>> -> memref<64xi32, #tpu.memory_space<vmem>>
    %dma_start3A_215 = arith.constant 0 : i32
    %dma_start3A_216 = arith.constant 0 : i32
    %dma_start3A_217 = tpu.memref_slice %arg2[%dma_start3A_215, %dma_start3A_216] : memref<10240x128xf32, #tpu.memory_space<hbm>> -> memref<10240x128xf32, #tpu.memory_space<hbm>>
    tpu.enqueue_indirect_dma source(%dma_start3A_217 : memref<10240x128xf32, #tpu.memory_space<hbm>>) target(%dma_start3A_211 : memref<64x128xf32, #tpu.memory_space<vmem>>) offsets(%dma_start3A_214 : memref<64xi32, #tpu.memory_space<vmem>>) semaphore(%arg8 : memref<!tpu.dma_semaphore, #tpu.memory_space<semaphore_mem>>)
    %scan3A_218 = arith.constant 0 : i32
    %scan3A_219 = arith.constant 0 : i32
    %scan3A_220 = arith.constant 160 : i32
    %scan3A_221 = arith.addi %scan3A_219, %scan3A_220 : i32
    %scan3A_222 = arith.constant 1 : i32
    %scan3A_223 = scf.for %scan3A_237 = %scan3A_219 to %scan3A_221 step %scan3A_222 iter_args(%scan3A_238 = %scan3A_218) -> (i32)  : i32 {
      %jit3A = arith.constant 4 : i32
      %eq3A = arith.constant 0 : i32
      %eq3A_239 = arith.cmpi eq, %jit3A, %eq3A : i32
      %jit3A_240 = arith.constant 1 : i32
      %select_n3A = arith.select %eq3A_239, %jit3A_240, %jit3A : i32
      %rem3A = arith.remsi %scan3A_237, %select_n3A : i32
      %ne3A = arith.constant 0 : i32
      %ne3A_241 = arith.cmpi ne, %rem3A, %ne3A : i32
      %lt3A = arith.constant 0 : i32
      %lt3A_242 = arith.cmpi slt, %rem3A, %lt3A : i32
      %lt3A_243 = arith.constant 0 : i32
      %lt3A_244 = arith.cmpi slt, %select_n3A, %lt3A_243 : i32
      %ne3A_245 = arith.xori %lt3A_242, %lt3A_244 : i1
      %and3A = arith.andi %ne3A_245, %ne3A_241 : i1
      %add3A_246 = arith.addi %rem3A, %select_n3A : i32
      %select_n3A_247 = arith.select %and3A, %add3A_246, %rem3A : i32
      %mul3A_248 = arith.constant 64 : i32
      %mul3A_249 = arith.muli %select_n3A_247, %mul3A_248 : i32
      %dma_wait3A_250 = arith.constant 0 : i32
      %dma_wait3A_251 = arith.constant 0 : i32
      %dma_wait3A_252 = tpu.memref_slice %arg6[%mul3A_249, %dma_wait3A_251] : memref<256x128xf32, #tpu.memory_space<vmem>> -> memref<64x128xf32, #tpu.memory_space<vmem>>
      %dma_wait3A_253 = arith.constant 0 : i32
      %dma_wait3A_254 = tpu.memref_slice %arg5[%scan3A_238, %dma_wait3A_250, %dma_wait3A_253] : memref<24x2x64xi32, #tpu.memory_space<vmem>> -> memref<1x1x64xi32, #tpu.memory_space<vmem>>
      %dma_wait3A_255 = tpu.memref_squeeze %dma_wait3A_254 : memref<1x1x64xi32, #tpu.memory_space<vmem>> -> memref<64xi32, #tpu.memory_space<vmem>>
      %dma_wait3A_256 = arith.constant 0 : i32
      %dma_wait3A_257 = arith.constant 0 : i32
      %dma_wait3A_258 = tpu.memref_slice %arg2[%dma_wait3A_256, %dma_wait3A_257] : memref<10240x128xf32, #tpu.memory_space<hbm>> -> memref<10240x128xf32, #tpu.memory_space<hbm>>
      tpu.wait_indirect_dma semaphore(%arg8 : memref<!tpu.dma_semaphore, #tpu.memory_space<semaphore_mem>>) src(%dma_wait3A_258 : memref<10240x128xf32, #tpu.memory_space<hbm>>) dst(%dma_wait3A_252 : memref<64x128xf32, #tpu.memory_space<vmem>>)
      %dma_start3A_259 = arith.constant 1 : i32
      %dma_start3A_260 = arith.constant 0 : i32
      %dma_start3A_261 = tpu.memref_slice %arg6[%mul3A_249, %dma_start3A_260] : memref<256x128xf32, #tpu.memory_space<vmem>> -> memref<64x128xf32, #tpu.memory_space<vmem>>
      %dma_start3A_262 = arith.constant 0 : i32
      %dma_start3A_263 = tpu.memref_slice %arg5[%scan3A_238, %dma_start3A_259, %dma_start3A_262] : memref<24x2x64xi32, #tpu.memory_space<vmem>> -> memref<1x1x64xi32, #tpu.memory_space<vmem>>
      %dma_start3A_264 = tpu.memref_squeeze %dma_start3A_263 : memref<1x1x64xi32, #tpu.memory_space<vmem>> -> memref<64xi32, #tpu.memory_space<vmem>>
      %dma_start3A_265 = arith.constant 0 : i32
      %dma_start3A_266 = arith.constant 0 : i32
      %dma_start3A_267 = tpu.memref_slice %arg7[%dma_start3A_265, %dma_start3A_266] : memref<10240x128xf32, #tpu.memory_space<vmem_shared>> -> memref<10240x128xf32, #tpu.memory_space<vmem_shared>>
      tpu.enqueue_indirect_dma source(%dma_start3A_261 : memref<64x128xf32, #tpu.memory_space<vmem>>) target(%dma_start3A_267 : memref<10240x128xf32, #tpu.memory_space<vmem_shared>>) offsets(%dma_start3A_264 : memref<64xi32, #tpu.memory_space<vmem>>) semaphore(%arg9 : memref<!tpu.dma_semaphore, #tpu.memory_space<semaphore_mem>>) {add = true}
      %ge3A = arith.constant 1 : i32
      %ge3A_268 = arith.cmpi sge, %scan3A_237, %ge3A : i32
      %convert_element_type3A = arith.extui %ge3A_268 : i1 to i32
      %cond3A = arith.constant 0 : i32
      %cond3A_269 = arith.cmpi ne, %convert_element_type3A, %cond3A : i32
      scf.if %cond3A_269 {
        %dma_wait3A_345 = arith.constant 0 : i32
        %dma_wait3A_346 = arith.constant 1 : i32
        %dma_wait3A_347 = arith.constant 0 : i32
        %dma_wait3A_348 = arith.constant 0 : i32
        %dma_wait3A_349 = tpu.memref_slice %arg6[%dma_wait3A_347, %dma_wait3A_348] : memref<256x128xf32, #tpu.memory_space<vmem>> -> memref<64x128xf32, #tpu.memory_space<vmem>>
        %dma_wait3A_350 = arith.constant 0 : i32
        %dma_wait3A_351 = tpu.memref_slice %arg5[%dma_wait3A_345, %dma_wait3A_346, %dma_wait3A_350] : memref<24x2x64xi32, #tpu.memory_space<vmem>> -> memref<1x1x64xi32, #tpu.memory_space<vmem>>
        %dma_wait3A_352 = tpu.memref_squeeze %dma_wait3A_351 : memref<1x1x64xi32, #tpu.memory_space<vmem>> -> memref<64xi32, #tpu.memory_space<vmem>>
        %dma_wait3A_353 = arith.constant 0 : i32
        %dma_wait3A_354 = arith.constant 0 : i32
        %dma_wait3A_355 = tpu.memref_slice %arg7[%dma_wait3A_353, %dma_wait3A_354] : memref<10240x128xf32, #tpu.memory_space<vmem_shared>> -> memref<10240x128xf32, #tpu.memory_space<vmem_shared>>
        tpu.wait_indirect_dma semaphore(%arg9 : memref<!tpu.dma_semaphore, #tpu.memory_space<semaphore_mem>>) src(%dma_wait3A_349 : memref<64x128xf32, #tpu.memory_space<vmem>>) dst(%dma_wait3A_355 : memref<10240x128xf32, #tpu.memory_space<vmem_shared>>)
      } else {
      }
      %jit3A_270 = arith.constant 8 : i32
      %eq3A_271 = arith.constant 0 : i32
      %eq3A_272 = arith.cmpi eq, %jit3A_270, %eq3A_271 : i32
      %jit3A_273 = arith.constant 1 : i32
      %select_n3A_274 = arith.select %eq3A_272, %jit3A_273, %jit3A_270 : i32
      %rem3A_275 = arith.remsi %scan3A_237, %select_n3A_274 : i32
      %ne3A_276 = arith.constant 0 : i32
      %ne3A_277 = arith.cmpi ne, %rem3A_275, %ne3A_276 : i32
      %lt3A_278 = arith.constant 0 : i32
      %lt3A_279 = arith.cmpi slt, %rem3A_275, %lt3A_278 : i32
      %lt3A_280 = arith.constant 0 : i32
      %lt3A_281 = arith.cmpi slt, %select_n3A_274, %lt3A_280 : i32
      %ne3A_282 = arith.xori %lt3A_279, %lt3A_281 : i1
      %and3A_283 = arith.andi %ne3A_282, %ne3A_277 : i1
      %add3A_284 = arith.addi %rem3A_275, %select_n3A_274 : i32
      %select_n3A_285 = arith.select %and3A_283, %add3A_284, %rem3A_275 : i32
      %eq3A_286 = arith.constant 2 : i32
      %eq3A_287 = arith.cmpi eq, %select_n3A_285, %eq3A_286 : i32
      %lt3A_288 = arith.constant 144 : i32
      %lt3A_289 = arith.cmpi slt, %scan3A_237, %lt3A_288 : i32
      %and3A_290 = arith.andi %eq3A_287, %lt3A_289 : i1
      %convert_element_type3A_291 = arith.extui %and3A_290 : i1 to i32
      %cond3A_292 = arith.constant 0 : i32
      %cond3A_293 = arith.cmpi ne, %convert_element_type3A_291, %cond3A_292 : i32
      scf.if %cond3A_293 {
        %jit3A_345 = arith.constant 8 : i32
        %div3A = arith.divsi %scan3A_238, %jit3A_345 : i32
        %sign3A = arith.constant 0 : i32
        %sign3A_346 = arith.cmpi sgt, %scan3A_238, %sign3A : i32
        %sign3A_347 = arith.extui %sign3A_346 : i1 to i32
        %sign3A_348 = arith.constant 0 : i32
        %sign3A_349 = arith.cmpi slt, %scan3A_238, %sign3A_348 : i32
        %sign3A_350 = arith.extui %sign3A_349 : i1 to i32
        %sign3A_351 = arith.subi %sign3A_347, %sign3A_350 : i32
        %sign3A_352 = arith.constant 0 : i32
        %sign3A_353 = arith.cmpi sgt, %jit3A_345, %sign3A_352 : i32
        %sign3A_354 = arith.extui %sign3A_353 : i1 to i32
        %sign3A_355 = arith.constant 0 : i32
        %sign3A_356 = arith.cmpi slt, %jit3A_345, %sign3A_355 : i32
        %sign3A_357 = arith.extui %sign3A_356 : i1 to i32
        %sign3A_358 = arith.subi %sign3A_354, %sign3A_357 : i32
        %ne3A_359 = arith.cmpi ne, %sign3A_351, %sign3A_358 : i32
        %rem3A_360 = arith.remsi %scan3A_238, %jit3A_345 : i32
        %ne3A_361 = arith.constant 0 : i32
        %ne3A_362 = arith.cmpi ne, %rem3A_360, %ne3A_361 : i32
        %and3A_363 = arith.andi %ne3A_359, %ne3A_362 : i1
        %sub3A_364 = arith.constant 1 : i32
        %sub3A_365 = arith.subi %div3A, %sub3A_364 : i32
        %select_n3A_366 = arith.select %and3A_363, %sub3A_365, %div3A : i32
        %add3A_367 = arith.constant 2 : i32
        %add3A_368 = arith.addi %select_n3A_366, %add3A_367 : i32
        %ge3A_369 = arith.constant 3 : i32
        %ge3A_370 = arith.cmpi sge, %add3A_368, %ge3A_369 : i32
        %sub3A_371 = arith.constant 3 : i32
        %sub3A_372 = arith.subi %add3A_368, %sub3A_371 : i32
        %select_n3A_373 = arith.select %ge3A_370, %sub3A_372, %add3A_368 : i32
        %jit3A_374 = arith.constant 8 : i32
        %div3A_375 = arith.divsi %scan3A_237, %jit3A_374 : i32
        %sign3A_376 = arith.constant 0 : i32
        %sign3A_377 = arith.cmpi sgt, %scan3A_237, %sign3A_376 : i32
        %sign3A_378 = arith.extui %sign3A_377 : i1 to i32
        %sign3A_379 = arith.constant 0 : i32
        %sign3A_380 = arith.cmpi slt, %scan3A_237, %sign3A_379 : i32
        %sign3A_381 = arith.extui %sign3A_380 : i1 to i32
        %sign3A_382 = arith.subi %sign3A_378, %sign3A_381 : i32
        %sign3A_383 = arith.constant 0 : i32
        %sign3A_384 = arith.cmpi sgt, %jit3A_374, %sign3A_383 : i32
        %sign3A_385 = arith.extui %sign3A_384 : i1 to i32
        %sign3A_386 = arith.constant 0 : i32
        %sign3A_387 = arith.cmpi slt, %jit3A_374, %sign3A_386 : i32
        %sign3A_388 = arith.extui %sign3A_387 : i1 to i32
        %sign3A_389 = arith.subi %sign3A_385, %sign3A_388 : i32
        %ne3A_390 = arith.cmpi ne, %sign3A_382, %sign3A_389 : i32
        %rem3A_391 = arith.remsi %scan3A_237, %jit3A_374 : i32
        %ne3A_392 = arith.constant 0 : i32
        %ne3A_393 = arith.cmpi ne, %rem3A_391, %ne3A_392 : i32
        %and3A_394 = arith.andi %ne3A_390, %ne3A_393 : i1
        %sub3A_395 = arith.constant 1 : i32
        %sub3A_396 = arith.subi %div3A_375, %sub3A_395 : i32
        %select_n3A_397 = arith.select %and3A_394, %sub3A_396, %div3A_375 : i32
        %add3A_398 = arith.constant 2 : i32
        %add3A_399 = arith.addi %select_n3A_397, %add3A_398 : i32
        %mul3A_400 = arith.constant 8 : i32
        %mul3A_401 = arith.muli %add3A_399, %mul3A_400 : i32
        %add3A_402 = arith.addi %mul3A_120, %mul3A_401 : i32
        %mul3A_403 = arith.constant 8 : i32
        %mul3A_404 = arith.muli %select_n3A_373, %mul3A_403 : i32
        %dma_start3A_405 = arith.constant 0 : i32
        %dma_start3A_406 = arith.constant 0 : i32
        %dma_start3A_407 = tpu.memref_slice %arg5[%mul3A_404, %dma_start3A_405, %dma_start3A_406] : memref<24x2x64xi32, #tpu.memory_space<vmem>> -> memref<8x2x64xi32, #tpu.memory_space<vmem>>
        %dma_start3A_408 = arith.constant 0 : i32
        %dma_start3A_409 = arith.constant 0 : i32
        %dma_start3A_410 = tpu.memref_slice %arg3[%add3A_402, %dma_start3A_408, %dma_start3A_409] : memref<5120x2x64xi32, #tpu.memory_space<hbm>> -> memref<8x2x64xi32, #tpu.memory_space<hbm>>
        %dma_start3A_411 = arith.constant 0 : i32
        %dma_start3A_412 = arith.constant 0 : i32
        %dma_start3A_413 = tpu.memref_slice %arg5[%mul3A_404, %dma_start3A_411, %dma_start3A_412] : memref<24x2x64xi32, #tpu.memory_space<vmem>> -> memref<8x2x64xi32, #tpu.memory_space<vmem>>
        %dma_start3A_414 = arith.constant 0 : i32
        %dma_start3A_415 = arith.constant 0 : i32
        %dma_start3A_416 = tpu.memref_slice %arg3[%add3A_402, %dma_start3A_414, %dma_start3A_415] : memref<5120x2x64xi32, #tpu.memory_space<hbm>> -> memref<8x2x64xi32, #tpu.memory_space<hbm>>
        tpu.enqueue_dma source(%dma_start3A_416 : memref<8x2x64xi32, #tpu.memory_space<hbm>>) target(%dma_start3A_413 : memref<8x2x64xi32, #tpu.memory_space<vmem>>) target_semaphore(%arg10 : memref<!tpu.dma_semaphore, #tpu.memory_space<semaphore_mem>>)
      } else {
      }
      %add3A_294 = arith.constant 3 : i32
      %add3A_295 = arith.addi %scan3A_237, %add3A_294 : i32
      %add3A_296 = arith.constant 3 : i32
      %add3A_297 = arith.addi %scan3A_238, %add3A_296 : i32
      %ge3A_298 = arith.constant 24 : i32
      %ge3A_299 = arith.cmpi sge, %add3A_297, %ge3A_298 : i32
      %add3A_300 = arith.constant 3 : i32
      %add3A_301 = arith.addi %scan3A_238, %add3A_300 : i32
      %sub3A = arith.constant 24 : i32
      %sub3A_302 = arith.subi %add3A_301, %sub3A : i32
      %add3A_303 = arith.constant 3 : i32
      %add3A_304 = arith.addi %scan3A_238, %add3A_303 : i32
      %select_n3A_305 = arith.select %ge3A_299, %sub3A_302, %add3A_304 : i32
      %jit3A_306 = arith.constant 8 : i32
      %eq3A_307 = arith.constant 0 : i32
      %eq3A_308 = arith.cmpi eq, %jit3A_306, %eq3A_307 : i32
      %jit3A_309 = arith.constant 1 : i32
      %select_n3A_310 = arith.select %eq3A_308, %jit3A_309, %jit3A_306 : i32
      %rem3A_311 = arith.remsi %add3A_295, %select_n3A_310 : i32
      %ne3A_312 = arith.constant 0 : i32
      %ne3A_313 = arith.cmpi ne, %rem3A_311, %ne3A_312 : i32
      %lt3A_314 = arith.constant 0 : i32
      %lt3A_315 = arith.cmpi slt, %rem3A_311, %lt3A_314 : i32
      %lt3A_316 = arith.constant 0 : i32
      %lt3A_317 = arith.cmpi slt, %select_n3A_310, %lt3A_316 : i32
      %ne3A_318 = arith.xori %lt3A_315, %lt3A_317 : i1
      %and3A_319 = arith.andi %ne3A_318, %ne3A_313 : i1
      %add3A_320 = arith.addi %rem3A_311, %select_n3A_310 : i32
      %select_n3A_321 = arith.select %and3A_319, %add3A_320, %rem3A_311 : i32
      %eq3A_322 = arith.constant 0 : i32
      %eq3A_323 = arith.cmpi eq, %select_n3A_321, %eq3A_322 : i32
      %ge3A_324 = arith.constant 16 : i32
      %ge3A_325 = arith.cmpi sge, %add3A_295, %ge3A_324 : i32
      %and3A_326 = arith.andi %eq3A_323, %ge3A_325 : i1
      %le3A = arith.constant 159 : i32
      %le3A_327 = arith.cmpi sle, %add3A_295, %le3A : i32
      %and3A_328 = arith.andi %and3A_326, %le3A_327 : i1
      %convert_element_type3A_329 = arith.extui %and3A_328 : i1 to i32
      %cond3A_330 = arith.constant 0 : i32
      %cond3A_331 = arith.cmpi ne, %convert_element_type3A_329, %cond3A_330 : i32
      scf.if %cond3A_331 {
        %dma_wait3A_345 = arith.constant 0 : i32
        %dma_wait3A_346 = arith.constant 0 : i32
        %dma_wait3A_347 = arith.constant 0 : i32
        %dma_wait3A_348 = tpu.memref_slice %arg5[%dma_wait3A_345, %dma_wait3A_346, %dma_wait3A_347] : memref<24x2x64xi32, #tpu.memory_space<vmem>> -> memref<8x2x64xi32, #tpu.memory_space<vmem>>
        %dma_wait3A_349 = arith.constant 0 : i32
        %dma_wait3A_350 = arith.constant 0 : i32
        %dma_wait3A_351 = arith.constant 0 : i32
        %dma_wait3A_352 = tpu.memref_slice %arg3[%dma_wait3A_349, %dma_wait3A_350, %dma_wait3A_351] : memref<5120x2x64xi32, #tpu.memory_space<hbm>> -> memref<8x2x64xi32, #tpu.memory_space<hbm>>
        %dma_wait3A_353 = arith.constant 0 : i32
        %dma_wait3A_354 = arith.constant 0 : i32
        %dma_wait3A_355 = arith.constant 0 : i32
        %dma_wait3A_356 = tpu.memref_slice %arg5[%dma_wait3A_353, %dma_wait3A_354, %dma_wait3A_355] : memref<24x2x64xi32, #tpu.memory_space<vmem>> -> memref<8x2x64xi32, #tpu.memory_space<vmem>>
        %dma_wait3A_357 = arith.constant 0 : i32
        %dma_wait3A_358 = arith.constant 0 : i32
        %dma_wait3A_359 = arith.constant 0 : i32
        %dma_wait3A_360 = tpu.memref_slice %arg3[%dma_wait3A_357, %dma_wait3A_358, %dma_wait3A_359] : memref<5120x2x64xi32, #tpu.memory_space<hbm>> -> memref<8x2x64xi32, #tpu.memory_space<hbm>>
        tpu.wait_dma2 semaphore(%arg10 : memref<!tpu.dma_semaphore, #tpu.memory_space<semaphore_mem>>) src(%dma_wait3A_360 : memref<8x2x64xi32, #tpu.memory_space<hbm>>) dst(%dma_wait3A_356 : memref<8x2x64xi32, #tpu.memory_space<vmem>>)
      } else {
      }
      %le3A_332 = arith.constant 159 : i32
      %le3A_333 = arith.cmpi sle, %add3A_295, %le3A_332 : i32
      %convert_element_type3A_334 = arith.extui %le3A_333 : i1 to i32
      %cond3A_335 = arith.constant 0 : i32
      %cond3A_336 = arith.cmpi ne, %convert_element_type3A_334, %cond3A_335 : i32
      scf.if %cond3A_336 {
        %jit3A_345 = arith.constant 4 : i32
        %eq3A_346 = arith.constant 0 : i32
        %eq3A_347 = arith.cmpi eq, %jit3A_345, %eq3A_346 : i32
        %jit3A_348 = arith.constant 1 : i32
        %select_n3A_349 = arith.select %eq3A_347, %jit3A_348, %jit3A_345 : i32
        %rem3A_350 = arith.remsi %add3A_295, %select_n3A_349 : i32
        %ne3A_351 = arith.constant 0 : i32
        %ne3A_352 = arith.cmpi ne, %rem3A_350, %ne3A_351 : i32
        %lt3A_353 = arith.constant 0 : i32
        %lt3A_354 = arith.cmpi slt, %rem3A_350, %lt3A_353 : i32
        %lt3A_355 = arith.constant 0 : i32
        %lt3A_356 = arith.cmpi slt, %select_n3A_349, %lt3A_355 : i32
        %ne3A_357 = arith.xori %lt3A_354, %lt3A_356 : i1
        %and3A_358 = arith.andi %ne3A_357, %ne3A_352 : i1
        %add3A_359 = arith.addi %rem3A_350, %select_n3A_349 : i32
        %select_n3A_360 = arith.select %and3A_358, %add3A_359, %rem3A_350 : i32
        %mul3A_361 = arith.constant 64 : i32
        %mul3A_362 = arith.muli %select_n3A_360, %mul3A_361 : i32
        %dma_start3A_363 = arith.constant 0 : i32
        %dma_start3A_364 = arith.constant 0 : i32
        %dma_start3A_365 = tpu.memref_slice %arg6[%mul3A_362, %dma_start3A_364] : memref<256x128xf32, #tpu.memory_space<vmem>> -> memref<64x128xf32, #tpu.memory_space<vmem>>
        %dma_start3A_366 = arith.constant 0 : i32
        %dma_start3A_367 = tpu.memref_slice %arg5[%select_n3A_305, %dma_start3A_363, %dma_start3A_366] : memref<24x2x64xi32, #tpu.memory_space<vmem>> -> memref<1x1x64xi32, #tpu.memory_space<vmem>>
        %dma_start3A_368 = tpu.memref_squeeze %dma_start3A_367 : memref<1x1x64xi32, #tpu.memory_space<vmem>> -> memref<64xi32, #tpu.memory_space<vmem>>
        %dma_start3A_369 = arith.constant 0 : i32
        %dma_start3A_370 = arith.constant 0 : i32
        %dma_start3A_371 = tpu.memref_slice %arg2[%dma_start3A_369, %dma_start3A_370] : memref<10240x128xf32, #tpu.memory_space<hbm>> -> memref<10240x128xf32, #tpu.memory_space<hbm>>
        tpu.enqueue_indirect_dma source(%dma_start3A_371 : memref<10240x128xf32, #tpu.memory_space<hbm>>) target(%dma_start3A_365 : memref<64x128xf32, #tpu.memory_space<vmem>>) offsets(%dma_start3A_368 : memref<64xi32, #tpu.memory_space<vmem>>) semaphore(%arg8 : memref<!tpu.dma_semaphore, #tpu.memory_space<semaphore_mem>>)
      } else {
      }
      %add3A_337 = arith.constant 1 : i32
      %add3A_338 = arith.addi %scan3A_238, %add3A_337 : i32
      %ge3A_339 = arith.constant 24 : i32
      %ge3A_340 = arith.cmpi sge, %add3A_338, %ge3A_339 : i32
      %add3A_341 = arith.constant 1 : i32
      %add3A_342 = arith.addi %scan3A_238, %add3A_341 : i32
      %jit3A_343 = arith.constant 0 : i32
      %select_n3A_344 = arith.select %ge3A_340, %jit3A_343, %add3A_342 : i32
      scf.yield %select_n3A_344 : i32
    }
    %scan3A_224 = arith.constant 160 : i32
    %dma_wait3A_225 = arith.constant 0 : i32
    %dma_wait3A_226 = arith.constant 1 : i32
    %dma_wait3A_227 = arith.constant 0 : i32
    %dma_wait3A_228 = arith.constant 0 : i32
    %dma_wait3A_229 = tpu.memref_slice %arg6[%dma_wait3A_227, %dma_wait3A_228] : memref<256x128xf32, #tpu.memory_space<vmem>> -> memref<64x128xf32, #tpu.memory_space<vmem>>
    %dma_wait3A_230 = arith.constant 0 : i32
    %dma_wait3A_231 = tpu.memref_slice %arg5[%dma_wait3A_225, %dma_wait3A_226, %dma_wait3A_230] : memref<24x2x64xi32, #tpu.memory_space<vmem>> -> memref<1x1x64xi32, #tpu.memory_space<vmem>>
    %dma_wait3A_232 = tpu.memref_squeeze %dma_wait3A_231 : memref<1x1x64xi32, #tpu.memory_space<vmem>> -> memref<64xi32, #tpu.memory_space<vmem>>
    %dma_wait3A_233 = arith.constant 0 : i32
    %dma_wait3A_234 = arith.constant 0 : i32
    %dma_wait3A_235 = tpu.memref_slice %arg7[%dma_wait3A_233, %dma_wait3A_234] : memref<10240x128xf32, #tpu.memory_space<vmem_shared>> -> memref<10240x128xf32, #tpu.memory_space<vmem_shared>>
    tpu.wait_indirect_dma semaphore(%arg9 : memref<!tpu.dma_semaphore, #tpu.memory_space<semaphore_mem>>) src(%dma_wait3A_229 : memref<64x128xf32, #tpu.memory_space<vmem>>) dst(%dma_wait3A_235 : memref<10240x128xf32, #tpu.memory_space<vmem_shared>>)
    %barrier3A_236 = arith.constant 0 : index
    tpu.barrier barrier_id(%barrier3A_236)
    "tpu.region"() ({
      %run_scoped3A = tpu.sem_alloc : memref<!tpu.dma_semaphore, #tpu.memory_space<semaphore_mem>>
      %dma_start3A_237 = arith.constant 0 : i32
      %dma_start3A_238 = tpu.memref_slice %arg4[%arg0, %mul3A_2, %dma_start3A_237] : memref<2x10240x128xf32, #tpu.memory_space<hbm>> -> memref<1x640x128xf32, #tpu.memory_space<hbm>>
      %dma_start3A_239 = tpu.memref_squeeze %dma_start3A_238 : memref<1x640x128xf32, #tpu.memory_space<hbm>> -> memref<640x128xf32, #tpu.memory_space<hbm>>
      %dma_start3A_240 = arith.constant 0 : i32
      %dma_start3A_241 = tpu.memref_slice %arg7[%mul3A_2, %dma_start3A_240] : memref<10240x128xf32, #tpu.memory_space<vmem_shared>> -> memref<640x128xf32, #tpu.memory_space<vmem_shared>>
      tpu.enqueue_dma source(%dma_start3A_241 : memref<640x128xf32, #tpu.memory_space<vmem_shared>>) target(%dma_start3A_239 : memref<640x128xf32, #tpu.memory_space<hbm>>) target_semaphore(%run_scoped3A : memref<!tpu.dma_semaphore, #tpu.memory_space<semaphore_mem>>)
      %dma_wait3A_242 = arith.constant 0 : i32
      %dma_wait3A_243 = tpu.memref_slice %arg4[%arg0, %mul3A_2, %dma_wait3A_242] : memref<2x10240x128xf32, #tpu.memory_space<hbm>> -> memref<1x640x128xf32, #tpu.memory_space<hbm>>
      %dma_wait3A_244 = tpu.memref_squeeze %dma_wait3A_243 : memref<1x640x128xf32, #tpu.memory_space<hbm>> -> memref<640x128xf32, #tpu.memory_space<hbm>>
      %dma_wait3A_245 = arith.constant 0 : i32
      %dma_wait3A_246 = tpu.memref_slice %arg7[%mul3A_2, %dma_wait3A_245] : memref<10240x128xf32, #tpu.memory_space<vmem_shared>> -> memref<640x128xf32, #tpu.memory_space<vmem_shared>>
      tpu.wait_dma2 semaphore(%run_scoped3A : memref<!tpu.dma_semaphore, #tpu.memory_space<semaphore_mem>>) src(%dma_wait3A_246 : memref<640x128xf32, #tpu.memory_space<vmem_shared>>) dst(%dma_wait3A_244 : memref<640x128xf32, #tpu.memory_space<hbm>>)
      tpu.yield
    }) : () -> ()
    return
  }
}

module attributes {stable_mosaic.version = 14 : i64} {
  func.func @_layer_body(%arg0: i32, %arg1: memref<2x2048x128xf32, #tpu.memory_space<vmem>>, %arg2: memref<2048x32xf32, #tpu.memory_space<vmem>>, %arg3: memref<128x128xf32, #tpu.memory_space<vmem>>, %arg4: memref<1x128xf32, #tpu.memory_space<vmem>>, %arg5: memref<128x128xf32, #tpu.memory_space<vmem>>, %arg6: memref<2048x128xf32, #tpu.memory_space<vmem>>) attributes {dimension_semantics = [#tpu.dimension_semantics<arbitrary>], iteration_bounds = array<i64: 5>, scalar_prefetch = 0 : i64, scratch_operands = 0 : i64, tpu.core_type = #tpu.core_type<tc>, window_params = [{transform_indices = @transform_0, window_bounds = array<i64: 2, 2048, 128>}, {transform_indices = @transform_1, window_bounds = array<i64: 2048, 32>}, {pipeline_mode = #tpu.pipeline_mode<synchronous>, transform_indices = @transform_2, window_bounds = array<i64: 128, 128>}, {pipeline_mode = #tpu.pipeline_mode<synchronous>, transform_indices = @transform_3, window_bounds = array<i64: 1, 128>}, {pipeline_mode = #tpu.pipeline_mode<synchronous>, transform_indices = @transform_4, window_bounds = array<i64: 128, 128>}, {transform_indices = @transform_5, window_bounds = array<i64: 2048, 128>}]} {
    %get3A = arith.constant 0 : index
    %get3A_0 = arith.constant 0 : index
    %get3A_1 = arith.constant 0 : index
    %get3A_2 = vector.load %arg1[%get3A, %get3A_0, %get3A_1] : memref<2x2048x128xf32, #tpu.memory_space<vmem>>, vector<1x2048x128xf32>
    %get3A_3 = vector.shape_cast %get3A_2 : vector<1x2048x128xf32> to vector<2048x128xf32>
    %get3A_4 = arith.constant 1 : index
    %get3A_5 = arith.constant 0 : index
    %get3A_6 = arith.constant 0 : index
    %get3A_7 = vector.load %arg1[%get3A_4, %get3A_5, %get3A_6] : memref<2x2048x128xf32, #tpu.memory_space<vmem>>, vector<1x2048x128xf32>
    %get3A_8 = vector.shape_cast %get3A_7 : vector<1x2048x128xf32> to vector<2048x128xf32>
    %add3A = arith.addf %get3A_3, %get3A_8 : vector<2048x128xf32>
    %get3A_9 = arith.constant 0 : index
    %get3A_10 = arith.constant 0 : index
    %get3A_11 = vector.load %arg2[%get3A_9, %get3A_10] : memref<2048x32xf32, #tpu.memory_space<vmem>>, vector<2048x32xf32>
    %reduce_sum3A = arith.constant dense<0.000000e+00> : vector<2048xf32>
    %reduce_sum3A_12 = vector.multi_reduction <add>, %get3A_11, %reduce_sum3A [1] : vector<2048x32xf32> to vector<2048xf32>
    %broadcast_in_dim3A = vector.shape_cast %reduce_sum3A_12 : vector<2048xf32> to vector<2048x1xf32>
    %max3A = arith.constant 1.000000e+00 : f32
    %max3A_13 = vector.broadcast %max3A : f32 to vector<2048x1xf32>
    %max3A_14 = arith.maximumf %broadcast_in_dim3A, %max3A_13 : vector<2048x1xf32>
    %div3A = arith.constant 1.000000e+00 : f32
    %div3A_15 = vector.broadcast %div3A : f32 to vector<2048x1xf32>
    %div3A_16 = arith.divf %div3A_15, %max3A_14 : vector<2048x1xf32>
    %mul3A = vector.broadcast %div3A_16 : vector<2048x1xf32> to vector<2048x128xf32>
    %mul3A_17 = arith.mulf %add3A, %mul3A : vector<2048x128xf32>
    %get3A_18 = arith.constant 0 : index
    %get3A_19 = arith.constant 0 : index
    %get3A_20 = vector.load %arg3[%get3A_18, %get3A_19] : memref<128x128xf32, #tpu.memory_space<vmem>>, vector<128x128xf32>
    %dot_general3A = arith.constant dense<0.000000e+00> : vector<2048x128xf32>
    %dot_general3A_21 = tpu.matmul %mul3A_17, %get3A_20, %dot_general3A {dimension_numbers = #tpu.dot_dimension_numbers<[1], [0], [0], [1], [0, 0, 1, 1], [], []>, transpose_lhs_hint = false} : vector<2048x128xf32>, vector<128x128xf32>, vector<2048x128xf32> -> vector<2048x128xf32>
    %get3A_22 = arith.constant 0 : index
    %get3A_23 = arith.constant 0 : index
    %get3A_24 = vector.load %arg4[%get3A_22, %get3A_23] : memref<1x128xf32, #tpu.memory_space<vmem>>, vector<1x128xf32>
    %add3A_25 = vector.broadcast %get3A_24 : vector<1x128xf32> to vector<2048x128xf32>
    %add3A_26 = arith.addf %dot_general3A_21, %add3A_25 : vector<2048x128xf32>
    %max3A_27 = arith.constant 0.000000e+00 : f32
    %max3A_28 = vector.broadcast %max3A_27 : f32 to vector<2048x128xf32>
    %max3A_29 = arith.maximumf %add3A_26, %max3A_28 : vector<2048x128xf32>
    %mul3A_30 = arith.constant 2048 : i32
    %mul3A_31 = arith.muli %arg0, %mul3A_30 : i32
    %iota3A = tpu.iota {dimensions = array<i32: 0>} : vector<2048x1xi32>
    %add3A_32 = vector.broadcast %mul3A_31 : i32 to vector<2048x1xi32>
    %add3A_33 = arith.addi %add3A_32, %iota3A : vector<2048x1xi32>
    %lt3A = arith.constant 10000 : i32
    %lt3A_34 = vector.broadcast %lt3A : i32 to vector<2048x1xi32>
    %lt3A_35 = arith.cmpi slt, %add3A_33, %lt3A_34 : vector<2048x1xi32>
    %jit3A = arith.constant 0.000000e+00 : f32
    %broadcast_in_dim3A_36 = vector.shape_cast %lt3A_35 : vector<2048x1xi1> to vector<2048x1xi1>
    %broadcast_in_dim3A_37 = vector.broadcast %broadcast_in_dim3A_36 : vector<2048x1xi1> to vector<2048x128xi1>
    %broadcast_in_dim3A_38 = vector.broadcast %jit3A : f32 to vector<2048x128xf32>
    %select_n3A = arith.select %broadcast_in_dim3A_37, %max3A_29, %broadcast_in_dim3A_38 : vector<2048x128xi1>, vector<2048x128xf32>
    %get3A_39 = arith.constant 0 : index
    %get3A_40 = arith.constant 0 : index
    %get3A_41 = vector.load %arg5[%get3A_39, %get3A_40] : memref<128x128xf32, #tpu.memory_space<vmem>>, vector<128x128xf32>
    %dot_general3A_42 = arith.constant dense<0.000000e+00> : vector<2048x128xf32>
    %dot_general3A_43 = tpu.matmul %select_n3A, %get3A_41, %dot_general3A_42 {dimension_numbers = #tpu.dot_dimension_numbers<[1], [0], [0], [1], [0, 0, 1, 1], [], []>, transpose_lhs_hint = false} : vector<2048x128xf32>, vector<128x128xf32>, vector<2048x128xf32> -> vector<2048x128xf32>
    %swap3A = arith.constant 0 : index
    %swap3A_44 = arith.constant 0 : index
    %swap3A_45 = vector.load %arg6[%swap3A, %swap3A_44] : memref<2048x128xf32, #tpu.memory_space<vmem>>, vector<2048x128xf32>
    tpu.vector_store %arg6[%swap3A, %swap3A_44], %dot_general3A_43 {strides = array<i32>} : memref<2048x128xf32, #tpu.memory_space<vmem>>, vector<2048x128xf32>,
    return
  }
  func.func @transform_0(%arg0: i32) -> (i32, i32, i32) {
    %c0_i32 = arith.constant 0 : i32
    %c0_i32_0 = arith.constant 0 : i32
    %c0_i32_1 = arith.constant 0 : i32
    return %c0_i32, %arg0, %c0_i32_0 : i32, i32, i32
  }
  func.func @transform_1(%arg0: i32) -> (i32, i32) {
    %c0_i32 = arith.constant 0 : i32
    %c0_i32_0 = arith.constant 0 : i32
    return %arg0, %c0_i32 : i32, i32
  }
  func.func @transform_2(%arg0: i32) -> (i32, i32) {
    %c0_i32 = arith.constant 0 : i32
    %c0_i32_0 = arith.constant 0 : i32
    %c0_i32_1 = arith.constant 0 : i32
    return %c0_i32, %c0_i32_0 : i32, i32
  }
  func.func @transform_3(%arg0: i32) -> (i32, i32) {
    %c0_i32 = arith.constant 0 : i32
    %c0_i32_0 = arith.constant 0 : i32
    %c0_i32_1 = arith.constant 0 : i32
    return %c0_i32, %c0_i32_0 : i32, i32
  }
  func.func @transform_4(%arg0: i32) -> (i32, i32) {
    %c0_i32 = arith.constant 0 : i32
    %c0_i32_0 = arith.constant 0 : i32
    %c0_i32_1 = arith.constant 0 : i32
    return %c0_i32, %c0_i32_0 : i32, i32
  }
  func.func @transform_5(%arg0: i32) -> (i32, i32) {
    %c0_i32 = arith.constant 0 : i32
    %c0_i32_0 = arith.constant 0 : i32
    return %arg0, %c0_i32 : i32, i32
  }
}

module attributes {stable_mosaic.version = 14 : i64} {
  func.func @_final_body(%arg0: i32, %arg1: memref<2x1024x128xf32, #tpu.memory_space<vmem>>, %arg2: memref<1024x32xf32, #tpu.memory_space<vmem>>, %arg3: memref<1x128xf32, #tpu.memory_space<vmem>>, %arg4: memref<1024x1xi32, #tpu.memory_space<vmem>>, %arg5: memref<128x10xf32, #tpu.memory_space<vmem>>, %arg6: memref<1x10xf32, #tpu.memory_space<vmem>>, %arg7: memref<64x10xf32, #tpu.memory_space<vmem>>, %arg8: memref<128x128xf32, #tpu.memory_space<vmem>>, %arg9: memref<128x1xf32, #tpu.memory_space<vmem>>) attributes {dimension_semantics = [#tpu.dimension_semantics<arbitrary>], iteration_bounds = array<i64: 10>, scalar_prefetch = 0 : i64, scratch_operands = 2 : i64, tpu.core_type = #tpu.core_type<tc>, window_params = [{transform_indices = @transform_0, window_bounds = array<i64: 2, 1024, 128>}, {transform_indices = @transform_1, window_bounds = array<i64: 1024, 32>}, {pipeline_mode = #tpu.pipeline_mode<synchronous>, transform_indices = @transform_2, window_bounds = array<i64: 1, 128>}, {transform_indices = @transform_3, window_bounds = array<i64: 1024, 1>}, {pipeline_mode = #tpu.pipeline_mode<synchronous>, transform_indices = @transform_4, window_bounds = array<i64: 128, 10>}, {pipeline_mode = #tpu.pipeline_mode<synchronous>, transform_indices = @transform_5, window_bounds = array<i64: 1, 10>}, {pipeline_mode = #tpu.pipeline_mode<synchronous>, transform_indices = @transform_6, window_bounds = array<i64: 64, 10>}]} {
    %get3A = arith.constant 0 : index
    %get3A_0 = arith.constant 0 : index
    %get3A_1 = arith.constant 0 : index
    %get3A_2 = vector.load %arg1[%get3A, %get3A_0, %get3A_1] : memref<2x1024x128xf32, #tpu.memory_space<vmem>>, vector<1x1024x128xf32>
    %get3A_3 = vector.shape_cast %get3A_2 : vector<1x1024x128xf32> to vector<1024x128xf32>
    %get3A_4 = arith.constant 1 : index
    %get3A_5 = arith.constant 0 : index
    %get3A_6 = arith.constant 0 : index
    %get3A_7 = vector.load %arg1[%get3A_4, %get3A_5, %get3A_6] : memref<2x1024x128xf32, #tpu.memory_space<vmem>>, vector<1x1024x128xf32>
    %get3A_8 = vector.shape_cast %get3A_7 : vector<1x1024x128xf32> to vector<1024x128xf32>
    %add3A = arith.addf %get3A_3, %get3A_8 : vector<1024x128xf32>
    %get3A_9 = arith.constant 0 : index
    %get3A_10 = arith.constant 0 : index
    %get3A_11 = vector.load %arg2[%get3A_9, %get3A_10] : memref<1024x32xf32, #tpu.memory_space<vmem>>, vector<1024x32xf32>
    %reduce_sum3A = arith.constant dense<0.000000e+00> : vector<1024xf32>
    %reduce_sum3A_12 = vector.multi_reduction <add>, %get3A_11, %reduce_sum3A [1] : vector<1024x32xf32> to vector<1024xf32>
    %broadcast_in_dim3A = vector.shape_cast %reduce_sum3A_12 : vector<1024xf32> to vector<1024x1xf32>
    %max3A = arith.constant 1.000000e+00 : f32
    %max3A_13 = vector.broadcast %max3A : f32 to vector<1024x1xf32>
    %max3A_14 = arith.maximumf %broadcast_in_dim3A, %max3A_13 : vector<1024x1xf32>
    %div3A = arith.constant 1.000000e+00 : f32
    %div3A_15 = vector.broadcast %div3A : f32 to vector<1024x1xf32>
    %div3A_16 = arith.divf %div3A_15, %max3A_14 : vector<1024x1xf32>
    %mul3A = vector.broadcast %div3A_16 : vector<1024x1xf32> to vector<1024x128xf32>
    %mul3A_17 = arith.mulf %add3A, %mul3A : vector<1024x128xf32>
    %get3A_18 = arith.constant 0 : index
    %get3A_19 = arith.constant 0 : index
    %get3A_20 = vector.load %arg3[%get3A_18, %get3A_19] : memref<1x128xf32, #tpu.memory_space<vmem>>, vector<1x128xf32>
    %add3A_21 = vector.broadcast %get3A_20 : vector<1x128xf32> to vector<1024x128xf32>
    %add3A_22 = arith.addf %mul3A_17, %add3A_21 : vector<1024x128xf32>
    %max3A_23 = arith.constant 0.000000e+00 : f32
    %max3A_24 = vector.broadcast %max3A_23 : f32 to vector<1024x128xf32>
    %max3A_25 = arith.maximumf %add3A_22, %max3A_24 : vector<1024x128xf32>
    %mul3A_26 = arith.constant 1024 : i32
    %mul3A_27 = arith.muli %arg0, %mul3A_26 : i32
    %iota3A = tpu.iota {dimensions = array<i32: 0>} : vector<1024x1xi32>
    %add3A_28 = vector.broadcast %mul3A_27 : i32 to vector<1024x1xi32>
    %add3A_29 = arith.addi %add3A_28, %iota3A : vector<1024x1xi32>
    %lt3A = arith.constant 10000 : i32
    %lt3A_30 = vector.broadcast %lt3A : i32 to vector<1024x1xi32>
    %lt3A_31 = arith.cmpi slt, %add3A_29, %lt3A_30 : vector<1024x1xi32>
    %jit3A = arith.constant 0.000000e+00 : f32
    %broadcast_in_dim3A_32 = vector.shape_cast %lt3A_31 : vector<1024x1xi1> to vector<1024x1xi1>
    %broadcast_in_dim3A_33 = vector.broadcast %broadcast_in_dim3A_32 : vector<1024x1xi1> to vector<1024x128xi1>
    %broadcast_in_dim3A_34 = vector.broadcast %jit3A : f32 to vector<1024x128xf32>
    %select_n3A = arith.select %broadcast_in_dim3A_33, %max3A_25, %broadcast_in_dim3A_34 : vector<1024x128xi1>, vector<1024x128xf32>
    %get3A_35 = arith.constant 0 : index
    %get3A_36 = arith.constant 0 : index
    %get3A_37 = vector.load %arg4[%get3A_35, %get3A_36] : memref<1024x1xi32, #tpu.memory_space<vmem>>, vector<1024x1xi32>
    %iota3A_38 = tpu.iota {dimensions = array<i32: 1>} : vector<1024x128xi32>
    %eq3A = vector.broadcast %get3A_37 : vector<1024x1xi32> to vector<1024x128xi32>
    %eq3A_39 = arith.cmpi eq, %eq3A, %iota3A_38 : vector<1024x128xi32>
    %convert_element_type3A = arith.extui %eq3A_39 : vector<1024x128xi1> to vector<1024x128xi32>
    %convert_element_type3A_40 = arith.sitofp %convert_element_type3A : vector<1024x128xi32> to vector<1024x128xf32>
    %eq3A_41 = arith.constant 0 : i32
    %eq3A_42 = arith.cmpi eq, %arg0, %eq3A_41 : i32
    %convert_element_type3A_43 = arith.extui %eq3A_42 : i1 to i32
    %cond3A = arith.constant 0 : i32
    %cond3A_44 = arith.cmpi ne, %convert_element_type3A_43, %cond3A : i32
    scf.if %cond3A_44 {
      %broadcast_in_dim3A_87 = arith.constant 0.000000e+00 : f32
      %broadcast_in_dim3A_88 = vector.broadcast %broadcast_in_dim3A_87 : f32 to vector<128x128xf32>
      %swap3A_89 = arith.constant 0 : index
      %swap3A_90 = arith.constant 0 : index
      %swap3A_91 = vector.load %arg8[%swap3A_89, %swap3A_90] : memref<128x128xf32, #tpu.memory_space<vmem>>, vector<128x128xf32>
      tpu.vector_store %arg8[%swap3A_89, %swap3A_90], %broadcast_in_dim3A_88 {strides = array<i32>} : memref<128x128xf32, #tpu.memory_space<vmem>>, vector<128x128xf32>,
      %broadcast_in_dim3A_92 = arith.constant 0.000000e+00 : f32
      %broadcast_in_dim3A_93 = vector.broadcast %broadcast_in_dim3A_92 : f32 to vector<128x1xf32>
      %swap3A_94 = arith.constant 0 : index
      %swap3A_95 = arith.constant 0 : index
      %swap3A_96 = vector.load %arg9[%swap3A_94, %swap3A_95] : memref<128x1xf32, #tpu.memory_space<vmem>>, vector<128x1xf32>
      tpu.vector_store %arg9[%swap3A_94, %swap3A_95], %broadcast_in_dim3A_93 {strides = array<i32>} : memref<128x1xf32, #tpu.memory_space<vmem>>, vector<128x1xf32>,
    } else {
    }
    %get3A_45 = arith.constant 0 : index
    %get3A_46 = arith.constant 0 : index
    %get3A_47 = vector.load %arg8[%get3A_45, %get3A_46] : memref<128x128xf32, #tpu.memory_space<vmem>>, vector<128x128xf32>
    %dot_general3A = arith.constant dense<0.000000e+00> : vector<128x128xf32>
    %dot_general3A_48 = tpu.matmul %convert_element_type3A_40, %select_n3A, %dot_general3A {dimension_numbers = #tpu.dot_dimension_numbers<[0], [0], [1], [1], [0, 1, 1, 1], [], []>, transpose_lhs_hint = false} : vector<1024x128xf32>, vector<1024x128xf32>, vector<128x128xf32> -> vector<128x128xf32>
    %add3A_49 = arith.addf %get3A_47, %dot_general3A_48 : vector<128x128xf32>
    %swap3A = arith.constant 0 : index
    %swap3A_50 = arith.constant 0 : index
    %swap3A_51 = vector.load %arg8[%swap3A, %swap3A_50] : memref<128x128xf32, #tpu.memory_space<vmem>>, vector<128x128xf32>
    tpu.vector_store %arg8[%swap3A, %swap3A_50], %add3A_49 {strides = array<i32>} : memref<128x128xf32, #tpu.memory_space<vmem>>, vector<128x128xf32>,
    %get3A_52 = arith.constant 0 : index
    %get3A_53 = arith.constant 0 : index
    %get3A_54 = vector.load %arg9[%get3A_52, %get3A_53] : memref<128x1xf32, #tpu.memory_space<vmem>>, vector<128x1xf32>
    %broadcast_in_dim3A_55 = arith.constant 1.000000e+00 : f32
    %broadcast_in_dim3A_56 = vector.broadcast %broadcast_in_dim3A_55 : f32 to vector<1024x1xf32>
    %dot_general3A_57 = arith.constant dense<0.000000e+00> : vector<128x1xf32>
    %dot_general3A_58 = tpu.matmul %convert_element_type3A_40, %broadcast_in_dim3A_56, %dot_general3A_57 {dimension_numbers = #tpu.dot_dimension_numbers<[0], [0], [1], [1], [0, 1, 1, 1], [], []>, transpose_lhs_hint = false} : vector<1024x128xf32>, vector<1024x1xf32>, vector<128x1xf32> -> vector<128x1xf32>
    %add3A_59 = arith.addf %get3A_54, %dot_general3A_58 : vector<128x1xf32>
    %swap3A_60 = arith.constant 0 : index
    %swap3A_61 = arith.constant 0 : index
    %swap3A_62 = vector.load %arg9[%swap3A_60, %swap3A_61] : memref<128x1xf32, #tpu.memory_space<vmem>>, vector<128x1xf32>
    tpu.vector_store %arg9[%swap3A_60, %swap3A_61], %add3A_59 {strides = array<i32>} : memref<128x1xf32, #tpu.memory_space<vmem>>, vector<128x1xf32>,
    %get3A_63 = arith.constant 0 : index
    %get3A_64 = arith.constant 0 : index
    %get3A_65 = vector.load %arg8[%get3A_63, %get3A_64] : memref<128x128xf32, #tpu.memory_space<vmem>>, vector<128x128xf32>
    %get3A_66 = arith.constant 0 : index
    %get3A_67 = arith.constant 0 : index
    %get3A_68 = vector.load %arg9[%get3A_66, %get3A_67] : memref<128x1xf32, #tpu.memory_space<vmem>>, vector<128x1xf32>
    %max3A_69 = arith.constant 1.000000e+00 : f32
    %max3A_70 = vector.broadcast %max3A_69 : f32 to vector<128x1xf32>
    %max3A_71 = arith.maximumf %get3A_68, %max3A_70 : vector<128x1xf32>
    %div3A_72 = vector.broadcast %max3A_71 : vector<128x1xf32> to vector<128x128xf32>
    %div3A_73 = arith.divf %get3A_65, %div3A_72 : vector<128x128xf32>
    %get3A_74 = arith.constant 0 : index
    %get3A_75 = arith.constant 0 : index
    %get3A_76 = vector.load %arg5[%get3A_74, %get3A_75] : memref<128x10xf32, #tpu.memory_space<vmem>>, vector<128x10xf32>
    %dot_general3A_77 = arith.constant dense<0.000000e+00> : vector<128x10xf32>
    %dot_general3A_78 = tpu.matmul %div3A_73, %get3A_76, %dot_general3A_77 {dimension_numbers = #tpu.dot_dimension_numbers<[1], [0], [0], [1], [0, 0, 1, 1], [], []>, transpose_lhs_hint = false} : vector<128x128xf32>, vector<128x10xf32>, vector<128x10xf32> -> vector<128x10xf32>
    %get3A_79 = arith.constant 0 : index
    %get3A_80 = arith.constant 0 : index
    %get3A_81 = vector.load %arg6[%get3A_79, %get3A_80] : memref<1x10xf32, #tpu.memory_space<vmem>>, vector<1x10xf32>
    %add3A_82 = vector.broadcast %get3A_81 : vector<1x10xf32> to vector<128x10xf32>
    %add3A_83 = arith.addf %dot_general3A_78, %add3A_82 : vector<128x10xf32>
    %slice3A = vector.extract_strided_slice %add3A_83 {offsets = [0, 0], sizes = [64, 10], strides = [1, 1]} : vector<128x10xf32> to vector<64x10xf32>
    %swap3A_84 = arith.constant 0 : index
    %swap3A_85 = arith.constant 0 : index
    %swap3A_86 = vector.load %arg7[%swap3A_84, %swap3A_85] : memref<64x10xf32, #tpu.memory_space<vmem>>, vector<64x10xf32>
    tpu.vector_store %arg7[%swap3A_84, %swap3A_85], %slice3A {strides = array<i32>} : memref<64x10xf32, #tpu.memory_space<vmem>>, vector<64x10xf32>,
    return
  }
  func.func @transform_0(%arg0: i32) -> (i32, i32, i32) {
    %c0_i32 = arith.constant 0 : i32
    %c0_i32_0 = arith.constant 0 : i32
    %c0_i32_1 = arith.constant 0 : i32
    return %c0_i32, %arg0, %c0_i32_0 : i32, i32, i32
  }
  func.func @transform_1(%arg0: i32) -> (i32, i32) {
    %c0_i32 = arith.constant 0 : i32
    %c0_i32_0 = arith.constant 0 : i32
    return %arg0, %c0_i32 : i32, i32
  }
  func.func @transform_2(%arg0: i32) -> (i32, i32) {
    %c0_i32 = arith.constant 0 : i32
    %c0_i32_0 = arith.constant 0 : i32
    %c0_i32_1 = arith.constant 0 : i32
    return %c0_i32, %c0_i32_0 : i32, i32
  }
  func.func @transform_3(%arg0: i32) -> (i32, i32) {
    %c0_i32 = arith.constant 0 : i32
    %c0_i32_0 = arith.constant 0 : i32
    return %arg0, %c0_i32 : i32, i32
  }
  func.func @transform_4(%arg0: i32) -> (i32, i32) {
    %c0_i32 = arith.constant 0 : i32
    %c0_i32_0 = arith.constant 0 : i32
    %c0_i32_1 = arith.constant 0 : i32
    return %c0_i32, %c0_i32_0 : i32, i32
  }
  func.func @transform_5(%arg0: i32) -> (i32, i32) {
    %c0_i32 = arith.constant 0 : i32
    %c0_i32_0 = arith.constant 0 : i32
    %c0_i32_1 = arith.constant 0 : i32
    return %c0_i32, %c0_i32_0 : i32, i32
  }
  func.func @transform_6(%arg0: i32) -> (i32, i32) {
    %c0_i32 = arith.constant 0 : i32
    %c0_i32_0 = arith.constant 0 : i32
    %c0_i32_1 = arith.constant 0 : i32
    return %c0_i32, %c0_i32_0 : i32, i32
  }
}

</mosaic_0001>

<sc_bundles>
// kernel: kernel.6.cloned.1.call-start
scs
__scs_entry_jumppad:
0x0: {  	(pc) =	sbr.rel $0x88, $3  }
0x1: {  	(tag) =	ssettag $0x0;
	lr =	simm.s32 $0x1  }
0x2: {  	[smem:$0x3F98] =	sst lr;
	_ =	strace $0xD0000000  }
0x3: {  	_ = 	snop  }
0x4: {  	_ = 	snop  }
0x5: {  	_ = 	snop  }
0x6: {  	_ = 	snop  }
0x7: {  	_ = 	snop  }
__scs_overlays_trampoline_lowered:
0x8: {  	[smem:$0x3FA7] =	sst s0  }
0x9: {  	[smem:$0x3FA8] =	sst s1  }
0xa: {  	[smem:$0x3FA9] =	sst s2  }
0xb: {  	[smem:$0x3FAA] =	sst s3  }
0xc: {  	[smem:$0x3FAB] =	sst s4  }
0xd: {  	[smem:$0x3FAC] =	sst s5  }
0xe: {  	[smem:$0x3FAD] =	sst s6  }
0xf: {  	[smem:$0x3FAE] =	sst s7  }
0x10: {  	[smem:$0x3FAF] =	sst s8  }
0x11: {  	[smem:$0x3FB0] =	sst s9;
	s0 =	simm.s32 @!p0 $0x0  }
0x12: {  	s1 =	sld [smem:$0x3F96];
	s0 =	simm.s32 @p0 $0x1  }
0x13: {  	[smem:$0x3FB1] =	sst s0;
	s0 =	simm.s32 @!p1 $0x0  }
0x14: {  	s2 =	sld [smem:$0x3F95];
	s0 =	simm.s32 @p1 $0x1  }
0x15: {  	[smem:$0x3FB2] =	sst s0;
	s0 =	simm.s32 @!p2 $0x0  }
0x16: {  	s3 =	sld [smem:$0x3FDB];
	s0 =	simm.s32 @p2 $0x1  }
0x17: {  	s4 =	simm.s32 $0x1BF5;
	[smem:$0x3FB4] =	sst s0  }
0x18: {  	s0 =	sld [smem:$0x3F97];
	_ =	swait.ge [sflag:s4], $0x0  }
0x19: {  	s7 =	sld [smem:$0x3F98]  }
0x1a: {  	s8 =	sadd.s32 $0xFFFFE003, lr  }
0x1b: {  	s9 =	sadd.s32 $0xFFFFFEF7, lr;
	s5 =	simm.s32 $0xFFFFFFFF;
	p2 =	slt.u32 s8, $0xFFFFF086  }
0x1c: {  	p1 =	slt.u32 s9, $0xF7A;
	s5 =	simm.s32 @!p2 $0x0  }
0x1d: {  	s5 =	simm.s32 @p1 $0x1;
	p0 =	seq.s32 s7, s2  }
0x1e: {  	s7 =	smul.u32 @!p0 $0xF7A, s2;
	p2 =	seq.s32 @!p0 s5, $0x0  }
0x1f: {  	s9 =	smul.u32 $0xF7A, s1;
	s8 =	simm.s32 @!p0 $0x1BF5;
	p2 =	por !p2, p0  }
0x20: {  	[sflag:s8] =	ssyncset.s32 @!p0 $0xFFFFF086;
	s6 =	sadd.s32 @!p0 s3, s7;
	s7 =	simm.s32 @!p0 $0x108  }
0x21: {  	s3 =	sadd.s32 s3, s9;
	s6 =	sadd.s32 @!p0 $0x88, s6;
	s7 =	simm.s32 @p2 $0x1082  }
0x22: {  	[simem:s7], [sflag:s8] =	dma.local @!p0 [hbm:s6], $0xF7A  }
0x23: {  	s9 =	sor.u32 $0xD0000000, s2;
	s6 =	simm.s32 $0x108;
	_ =	swait.ge @!p0 [sflag:s8], $0x0  }
0x24: {  	s3 =	sadd.s32 $0x88, s3;
	s6 =	simm.s32 @!p1 $0x1082;
	[sflag:s4] =	ssyncset.s32 $0xFFFFF086  }
0x25: {  	[simem:s6], [sflag:s4] =	dma.local [hbm:s3], $0xF7A  }
0x26: {  	[smem:$0x3F98] =	sst s1;
	(tag) =	ssettag s2;
	_ =	strace s9  }
0x27: {  	s1 =	sld [smem:$0x3FA8]  }
0x28: {  	s2 =	sld [smem:$0x3FA9]  }
0x29: {  	s4 =	sld [smem:$0x3FAB]  }
0x2a: {  	p0 =	seq.s32 s5, $0x0;
	s5 =	sld [smem:$0x3FAC]  }
0x2b: {  	s6 =	sld [smem:$0x3FAD]  }
0x2c: {  	s7 =	sld [smem:$0x3FAE]  }
0x2d: {  	s3 =	simm.s32 $0x108;
	s8 =	sld [smem:$0x3FAF]  }
0x2e: {  	s3 =	simm.s32 @!p0 $0x1082;
	s9 =	sld [smem:$0x3FB0]  }
0x2f: {  	lr =	sadd.s32 s0, s3;
	s0 =	sld [smem:$0x3FA7]  }
0x30: {  	s3 =	sld [smem:$0x3FAA]  }
0x31: {  	[smem:$0x3FB3] =	sst s10  }
0x32: {  	s10 =	sld [smem:$0x3FB1];
	_ =	sdelay $0x3  }
0x33: {  	p0 =	seq.s32 s10, $0x1;
	s10 =	sld [smem:$0x3FB3];
	_ =	sdelay $0x3  }
0x34: {  	[smem:$0x3FB3] =	sst s10  }
0x35: {  	s10 =	sld [smem:$0x3FB2];
	_ =	sdelay $0x3  }
0x36: {  	p1 =	seq.s32 s10, $0x1;
	s10 =	sld [smem:$0x3FB3];
	_ =	sdelay $0x3  }
0x37: {  	[smem:$0x3FB3] =	sst s10  }
0x38: {  	s10 =	sld [smem:$0x3FB4]  }
0x39: {  	_ = 	snop;
	(pc) =	sbr.ind lr, $3  }
0x3a: {  	_ = 	snop  }
0x3b: {  	_ = 	snop  }
0x3c: {  	p2 =	seq.s32 s10, $0x1;
	s10 =	sld [smem:$0x3FB3]  }
0x3d: {  	_ =	shalt  }
0x3e: {  	_ =	shalt  }
0x3f: {  	_ =	shalt  }
0x40: {  	_ =	shalt  }
0x41: {  	_ =	shalt  }
0x42: {  	_ =	shalt  }
0x43: {  	_ =	shalt  }
0x44: {  	_ =	shalt  }
0x45: {  	_ =	shalt  }
0x46: {  	_ =	shalt  }
0x47: {  	_ =	shalt  }
0x48: {  	_ =	shalt  }
0x49: {  	_ =	shalt  }
0x4a: {  	_ =	shalt  }
0x4b: {  	_ =	shalt  }
0x4c: {  	_ =	shalt  }
0x4d: {  	_ =	shalt  }
0x4e: {  	_ =	shalt  }
0x4f: {  	_ =	shalt  }
0x50: {  	_ =	shalt  }
0x51: {  	_ =	shalt  }
0x52: {  	_ =	shalt  }
0x53: {  	_ =	shalt  }
0x54: {  	_ =	shalt  }
0x55: {  	_ =	shalt  }
0x56: {  	_ =	shalt  }
0x57: {  	_ =	shalt  }
0x58: {  	_ =	shalt  }
0x59: {  	_ =	shalt  }
0x5a: {  	_ =	shalt  }
0x5b: {  	_ =	shalt  }
0x5c: {  	_ =	shalt  }
0x5d: {  	_ =	shalt  }
0x5e: {  	_ =	shalt  }
0x5f: {  	_ =	shalt  }
0x60: {  	_ =	shalt  }
0x61: {  	_ =	shalt  }
0x62: {  	_ =	shalt  }
0x63: {  	_ =	shalt  }
0x64: {  	_ =	shalt  }
0x65: {  	_ =	shalt  }
0x66: {  	_ =	shalt  }
0x67: {  	_ =	shalt  }
0x68: {  	_ =	shalt  }
0x69: {  	_ =	shalt  }
0x6a: {  	_ =	shalt  }
0x6b: {  	_ =	shalt  }
0x6c: {  	_ =	shalt  }
0x6d: {  	_ =	shalt  }
0x6e: {  	_ =	shalt  }
0x6f: {  	_ =	shalt  }
0x70: {  	_ =	shalt  }
0x71: {  	_ =	shalt  }
0x72: {  	_ =	shalt  }
0x73: {  	_ =	shalt  }
0x74: {  	_ =	shalt  }
0x75: {  	_ =	shalt  }
0x76: {  	_ =	shalt  }
0x77: {  	_ =	shalt  }
0x78: {  	_ =	shalt  }
0x79: {  	_ =	shalt  }
0x7a: {  	_ =	shalt  }
0x7b: {  	_ =	shalt  }
0x7c: {  	_ =	shalt  }
0x7d: {  	_ =	shalt  }
0x7e: {  	_ =	shalt  }
0x7f: {  	_ =	shalt  }
0x80: {  	_ =	shalt  }
0x81: {  	_ =	shalt  }
0x82: {  	_ =	shalt  }
0x83: {  	_ =	shalt  }
0x84: {  	_ =	shalt  }
0x85: {  	_ =	shalt  }
0x86: {  	_ =	shalt  }
0x87: {  	_ =	shalt  }
.Lfunc_end0:
.L_simem_size_0:
called_computation_lowered:
.L_overlay_start_0:
0x88: {  	s2 =	sld [smem:$0x3FD9]  }
0x89: {  	s3 =	sld [smem:$0x3FFE];
	_ =	sdelay $0x1  }
0x8a: {  	s1 =	srdreg.scid  }
0x8b: {  	s0 =	sand.u32 $0x1, s1  }
0x8c: {  	s16 =	sshll.u32 s0, $0xA;
	s2 =	sadd.s32 s3, s2  }
0x8d: {  	s2 =	sadd.s32 s2, s16  }
0x8e: {  	[smem:$0x3FBF] =	sst s2  }
0x8f: {  	_ = 	snop  }
0x90: {  	(tm) =	ssettm $0x1  }
0x91: {  	s17 =	sld [smem:$0x3FFB];
	_ =	sdelay $0x3  }
0x92: {  	_ =	strace s17  }
0x93: {  	s2 =	sld [smem:$0x3FFC];
	_ =	sdelay $0x3  }
0x94: {  	_ =	strace s2  }
0x95: {  	s2 =	sld [smem:$0x3FFD];
	_ =	sdelay $0x3  }
0x96: {  	_ =	strace s2  }
0x97: {  	_ =	strace $0x8FFFFFFF  }
0x98: {  	s18 =	sld [smem:$0x3FDB];
	_ =	sdelay $0x1  }
0x99: {  	s19 =	simm.s32 $_scs_section_size  }
0x9a: {  	s4 =	simm.s32 $_size__tile_overlayer_lowered;
	s5 =	simm.s32 $_tile_overlayer_lowered  }
0x9b: {  	s22 =	simm.s32 $0x1BFF;
	s21 =	sshll.u32 s5, $0x1;
	s2 =	sadd.s32 s19, s18  }
0x9c: {  	s6 =	simm.s32 $0x0;
	s20 =	sshll.u32 s4, $0x1;
	s4 =	sadd.s32 s21, s2  }
0x9d: {  	[timem:s6], [sflag:s22] =	dma.local [hbm:s4], s20  }
0x9e: {  	_ =	swait.ge [sflag:s22], s20  }
0x9f: {  	s3 =	ssub.s32 $0x0, s20;
	[sflag:s22] =	ssyncset.done $0x0  }
0xa0: {  	[sflag:s22] =	ssyncadd.s32 s3;
	_ =	sdelay $0x1  }
0xa1: {  	s23 =	simm.s32 $0x1B8B  }
0xa2: {  	_ =	swait.ge [sflag:s23], $0x1  }
0xa3: {  	[sflag:s23] =	ssyncset.done $0x0  }
0xa4: {  	s25 =	simm.s32 $0x1B8E;
	s24 =	sld [smem:$0x3FFE];
	[sflag:s23] =	ssyncadd.s32 $0xFFFFFFFF  }
0xa5: {  	s26 =	simm.s32 $execute0_lowered;
	[smem:$0x3FD2] =	sst s25  }
0xa6: {  	s4 =	sshll.u32 s26, $0x1;
	_ =	strace $0x80000046;
	[dreg:$0x1] =	wrdreg $0xFFFFFFFF  }
0xa7: {  	s28 =	simm.s32 $_size_execute0_lowered;
	s2 =	sadd.s32 s2, s4;
	[dreg:$0x0] =	wrdreg $0x0  }
0xa8: {  	s4 =	sshll.u32 s28, $0x1;
	[dreg:$0x2] =	wrdreg s2  }
0xa9: {  	[dreg:$0x3] =	wrdreg s4  }
0xaa: {  	[dreg:$0x4] =	wrdreg $0xC0  }
0xab: {  	_ =	task [dreg:s6], $0x5FFFF  }
0xac: {  	[dreg:$0x1] =	wrdreg $0xFFFFFFFF  }
0xad: {  	[dreg:$0x0] =	wrdreg $0x60  }
0xae: {  	[dreg:$0x2] =	wrdreg s24  }
0xaf: {  	[dreg:$0x3] =	wrdreg $0x98000  }
0xb0: {  	[dreg:$0x4] =	wrdreg $0x9  }
0xb1: {  	_ =	task.clear_ibuf [dreg:s6], $0x5FFFF;
	_ =	strace $0x90000046  }
0xb2: {  	s29 =	simm.s32 $0x9;
	_ =	strace $0x80000048  }
0xb3: {  	_ =	swait.ge [sflag:s29], $0x1  }
0xb4: {  	[sflag:s29] =	ssyncadd.s32 $0xFFFFFFFF  }
0xb5: {  	_ =	strace $0x90000048  }
0xb6: {  	_ =	sfence  }
0xb7: {  	s30 =	sld [smem:$0x0];
	_ =	sdelay $0x2  }
0xb8: {  	s31 =	sshll.u32 s1, $0xD;
	s1 =	sshrl.u32 s1, $0x2  }
0xb9: {  	s3 =	sand.u32 $0x4000, s31;
	s1 =	sadd.s32 s1, s30  }
0xba: {  	s0 =	sor.u32 s3, s0;
	s1 =	sshll.u32 s1, $0x11  }
0xbb: {  	s0 =	sor.u32 s1, s0  }
0xbc: {  	s0 =	sadd.s32 $0x8F2B, s0  }
0xbd: {  	[sflag:s0] =	ssyncadd.remote.s32 $0x1  }
0xbe: {  	_ =	sfence.sel $0xFFFF  }
0xbf: {  	[dreg:$0x0] =	wrdreg $0xFFFFFFFF;
	(pc) =	sbr.abs _section_cstart, $3  }
0xc0: {  	[dreg:$0x1] =	wrdreg $0xFFFFFFFF  }
0xc1: {  	_ =	task.clear_ibuf [dreg:s6], $0x2FFFF;
	_ =	strace $0x9FFFFFFF  }
0xc2: {  	(tm) =	ssettm $0x7FFFFFFF  }
0xc3: {  	_ =	shalt  }
tec
execute0_lowered:
.L_overlay_start_1:
0x0: {  	(tag) =	ssettag $0x1  }
0x1: {  	s0 =	rddreg [dreg:$0x0]  }
0x2: {  	s1 =	rddreg [dreg:$0x1];
	s2 =	srdreg.scid  }
0x3: {  	s3 =	simm.s32 $0x0;
	s10 =	stileid.u32;
	s17 =	simm.s32 $0x1800  }
0x4: {  	s18 =	simm.s32 $0x1;
	s20 =	simm.s32 $0x3;
	s21 =	simm.s32 $0x40  }
0x5: {  	s28 =	simm.s32 $0x2;
	s29 =	simm.s32 $0x4;
	s31 =	simm.s32 $0x400  }
0x6: {  	s2 =	sand.u32 $0x1, s2;
	[smem:$0x7FF] =	sst s3;
	s6 =	smul.u32 $0x14000, s10  }
0x7: {  	s24 =	sshll.u32 s10, $0x7;
	s5 =	smul.u32 $0x140000, s2;
	s4 =	sshll.u32 s2, $0x4  }
0x8: {  	_ =	strace $0x80000047;
	s2 =	ssub.s32 $0x2, s2;
	s9 =	sor.u32 s10, s4  }
0x9: {  	s4 =	sadd.s32 $0x2A200, s0;
	s10 =	smul.u32 $0x50000, s10;
	s26 =	sshrl.u32 s2, $0x1  }
0xa: {  	s7 =	sshrl.u32 s9, $0x3;
	s5 =	sadd.s32 s6, s5;
	s30 =	smul.u32 $0x1400, s9  }
0xb: {  	s2 =	ssub.s32 s2, s26;
	s13 =	smul.u32 $0xA0, s9;
	s26 =	simm.s32 $0x1D800  }
0xc: {  	s23 =	smul.u32 $0x13C00, s7;
	s8 =	sshrl.u32 s5, $0x3;
	s7 =	sand.u32 $0x380, s24  }
0xd: {  	s5 =	sadd.s32 $0x2200, s0;
	s25 =	sshrl.u32 s10, $0x2;
	s16 =	smax.u32 s2, $0x1  }
.Ltmp0:
0xe: {  	s14 =	sadd.s32 s8, s0;
	s9 =	sadd.s32 s5, s30;
	(pc) =	sbr.rel .LBB2_1-.Ltmp0, $4  }
0xf: {  	s13 =	sor.u32 $0x10, s13;
	s6 =	sor.u32 s7, s23;
	s12 =	sadd.s32 $0x100, s9  }
0x10: {  	s14 =	sadd.s32 $0x5C000, s14;
	s7 =	sshrl.u32 s6, $0x3;
	s6 =	sadd.s32 s25, s1  }
0x11: {  	s0 =	sadd.s32 s7, s0;
	s7 =	sadd.s32 $0x4000, s6;
	s8 =	sadd.s32 $0x8000, s6  }
0x12: {  	v0 =	vimm.f32 $0.0e+00;
	v1 =	vimm.f32 $1.000000000e+00;
	s10 =	sadd.s32 $0xC000, s6;
	s11 =	sadd.s32 $0x10000, s6;
	s15 =	sadd.s32 $0x52200, s0  }
.LBB2_11:
0x13: {  	_ =	swait.ge [sflag:s28], $0x2000  }
0x14: {  	s0 =	stileid.u32;
	[sflag:s28] =	ssyncset.done $0x0  }
0x15: {  	s0 =	sshll.u32 s0, $0x6;
	[sflag:s28] =	ssyncadd.s32 $0xFFFFE000  }
0x16: {  	s2 =	sshrl.u32 s6, $0x3;
	s0 =	sor.u32 $0x1C04, s0;
	[bflag:$0x0] =	sbarrier.arrive $0xFFFF  }
0x17: {  	[hbm:s14], [sflag:s0] =	dma.local [spmem:s2], $0x2800  }
0x18: {  	s3 =	sadd.s32 $0x1, s3;
	_ =	swait.ge [sflag:s29], $0x2800  }
0x19: {  	p0 =	sne.s32 s3, s16;
	[sflag:s29] =	ssyncset.done $0x0  }
.Ltmp1:
0x1a: {  	s30 =	simm.s32 $0x80;
	[sflag:s29] =	ssyncadd.s32 $0xFFFFD800;
	(pc) =	sbr.rel @!p0 .LBB2_12-.Ltmp1, $4  }
0x1b: {  	[hbm4b:s15+s30] =	stream.strided.scatter [tilespmem:s26], [sflag:$0x4], $0x2780, s31, s30, $0x38;
	[tilespmem:$0x1FF80] =	vst v63  }
0x1c: {  	_ =	swait.ge [sflag:s29], $0x2780  }
0x1d: {  	[sflag:s29] =	ssyncset.done $0x0  }
0x1e: {  	[sflag:s29] =	ssyncadd.s32 $0xFFFFD880  }
.LBB2_1:
0x1f: {  	s0 =	simm.s32 $0x0;
	s2 =	simm.s32 $0x200  }
.LBB2_2:
0x20: {  	p0 =	sne.s32 s2, $0xFE00;
	[tilespmem:s0+$0x1870] =	vst v0  }
0x21: {  	[tilespmem:s0+$0x1800] =	vst v0  }
0x22: {  	[tilespmem:s0+$0x1810] =	vst v0  }
.Ltmp2:
0x23: {  	[tilespmem:s0+$0x1820] =	vst v0;
	(pc) =	sbr.rel @p0 .LBB2_2-.Ltmp2, $4  }
0x24: {  	[tilespmem:s0+$0x1830] =	vst v0  }
0x25: {  	[tilespmem:s0+$0x1840] =	vst v0  }
0x26: {  	[tilespmem:s0+$0x1850] =	vst v0  }
0x27: {  	[tilespmem:s0+$0x1860] =	vst v0;
	s0 =	sshra.s32 s2, $0x2;
	s2 =	sadd.s32 $0x200, s2  }
0x28: {  	[tilespmem:s0+$0x1870] =	vst v0  }
0x29: {  	[tilespmem:s0+$0x1800] =	vst v0  }
0x2a: {  	[tilespmem:s0+$0x1810] =	vst v0  }
0x2b: {  	[tilespmem:s0+$0x1820] =	vst v0  }
0x2c: {  	[tilespmem:s0+$0x1830] =	vst v0  }
0x2d: {  	[tilespmem:s0+$0x1840] =	vst v0  }
0x2e: {  	[tilespmem:s0+$0x1850] =	vst v0  }
0x2f: {  	[tilespmem:s0+$0x1860] =	vst v0  }
0x30: {  	[spmem:s6] =	stream.linear.scatter [tilespmem:s17], [sflag:$0x1], $0x4000, $0x38;
	[tilespmem:$0x1FF80] =	vst v63  }
0x31: {  	_ = 	snop  }
0x32: {  	[spmem:s7] =	stream.linear.scatter [tilespmem:s17], [sflag:$0x1], $0x4000, $0x38;
	[tilespmem:$0x1FF80] =	vst v63  }
0x33: {  	_ = 	snop  }
0x34: {  	[spmem:s8] =	stream.linear.scatter [tilespmem:s17], [sflag:$0x1], $0x4000, $0x38;
	[tilespmem:$0x1FF80] =	vst v63  }
0x35: {  	_ = 	snop  }
0x36: {  	[spmem:s10] =	stream.linear.scatter [tilespmem:s17], [sflag:$0x1], $0x4000, $0x38;
	[tilespmem:$0x1FF80] =	vst v63  }
0x37: {  	_ = 	snop  }
0x38: {  	[spmem:s11] =	stream.linear.scatter [tilespmem:s17], [sflag:$0x1], $0x4000, $0x38;
	[tilespmem:$0x1FF80] =	vst v63  }
0x39: {  	_ =	swait.ge [sflag:s18], $0x4000  }
0x3a: {  	[sflag:s18] =	ssyncset.done $0x0  }
0x3b: {  	[sflag:s18] =	ssyncadd.s32 $0xFFFFC000  }
0x3c: {  	_ =	swait.ge [sflag:s18], $0x4000  }
0x3d: {  	[sflag:s18] =	ssyncset.done $0x0  }
0x3e: {  	[sflag:s18] =	ssyncadd.s32 $0xFFFFC000  }
0x3f: {  	_ =	swait.ge [sflag:s18], $0x4000  }
0x40: {  	[sflag:s18] =	ssyncset.done $0x0  }
0x41: {  	[sflag:s18] =	ssyncadd.s32 $0xFFFFC000  }
0x42: {  	_ =	swait.ge [sflag:s18], $0x4000  }
0x43: {  	[sflag:s18] =	ssyncset.done $0x0  }
0x44: {  	[sflag:s18] =	ssyncadd.s32 $0xFFFFC000  }
0x45: {  	_ =	swait.ge [sflag:s18], $0x4000  }
0x46: {  	[sflag:s18] =	ssyncset.done $0x0  }
0x47: {  	s0 =	simm.s32 $0x40;
	s2 =	simm.s32 $0x0;
	[sflag:s18] =	ssyncadd.s32 $0xFFFFC000  }
.LBB2_4:
0x48: {  	p0 =	sne.s32 s0, $0x9DC0;
	[tilespmem:s2+$0x1D800] =	vst v0;
	s2 =	smov.u32 s0;
	s0 =	sadd.s32 $0x40, s0  }
.Ltmp3:
0x49: {  	(pc) =	sbr.rel @p0 .LBB2_4-.Ltmp3, $2  }
0x4a: {  	_ =	sdelay $0x2  }
0x4b: {  	s2 =	sshra.s32 s2, $0x2  }
0x4c: {  	[tilespmem:s2+$0x1D800] =	vst v0  }
0x4d: {  	s0 =	simm.s32 $0x0;
	[bflag:$0x0] =	sbarrier.arrive $0xFFFF  }
0x4e: {  	[tilespmem:s0], [sflag:$0x3] =	stream.linear.gather [hbm4b:s9+s0], $0x800, $0x38;
	[tilespmem:$0x1FF80] =	vst v63  }
0x4f: {  	s23 =	simm.s32 $0x800  }
0x50: {  	[tilespmem:s23], [sflag:$0x3] =	stream.linear.gather [hbm4b:s12+s0], $0x800, $0x38;
	[tilespmem:$0x1FF80] =	vst v63  }
0x51: {  	_ =	swait.ge [sflag:s20], $0x800  }
0x52: {  	[sflag:s20] =	ssyncset.done $0x0  }
0x53: {  	[sflag:s20] =	ssyncadd.s32 $0xFFFFF800  }
0x54: {  	_ =	swait.ge [sflag:s20], $0x800  }
0x55: {  	[sflag:s20] =	ssyncset.done $0x0  }
0x56: {  	[sflag:s20] =	ssyncadd.s32 $0xFFFFF800  }
0x57: {  	[tilespmem:s17], [sflag:$0x1] =	stream.indirect.gather [hbm4b:s4+s21], $0x80, s0, s21, $0xb8;
	[tilespmem:$0x1FF80] =	vst v63  }
.Ltmp4:
0x58: {  	_ = 	snop;
	(pc) =	sbr.rel .LBB2_6-.Ltmp4, $4  }
0x59: {  	s24 =	simm.s32 $0x100;
	s19 =	simm.s32 $0x3800;
	s25 =	simm.s32 $0x200  }
0x5a: {  	[tilespmem:s19], [sflag:$0x1] =	stream.indirect.gather [hbm4b:s4+s21], $0x80, s24, s21, $0xb8;
	[tilespmem:$0x1FF80] =	vst v63  }
0x5b: {  	s30 =	simm.s32 $0x5800;
	s2 =	simm.s32 $0x6000;
	s19 =	simm.s32 $0x0  }
0x5c: {  	[tilespmem:s30], [sflag:$0x1] =	stream.indirect.gather [hbm4b:s4+s21], $0x80, s25, s21, $0xb8;
	[tilespmem:$0x1FF80] =	vst v63  }
.LBB2_7:
0x5d: {  	_ =	swait.ge [sflag:s20], $0x800  }
0x5e: {  	[sflag:s20] =	ssyncset.done $0x0  }
0x5f: {  	[sflag:s20] =	ssyncadd.s32 $0xFFFFF800  }
.LBB2_9:
0x60: {  	s23 =	sadd.s32 $0x3, s0  }
0x61: {  	s24 =	sadd.s32 $0x3FFFEB, s0;
	p0 =	sgt.s32 s23, $0x17  }
0x62: {  	s23 =	smov.u32 @p0 s24  }
0x63: {  	s30 =	sand.u32 $0x6000, s2;
	s23 =	sshll.u32 s23, $0xA  }
0x64: {  	s24 =	sor.u32 $0x1800, s30;
	s23 =	sshra.s32 s23, $0x2  }
0x65: {  	[tilespmem:s24], [sflag:$0x1] =	stream.indirect.gather [hbm4b:s4+s21], $0x80, s23, s21, $0xb8;
	[tilespmem:$0x1FF80] =	vst v63  }
.LBB2_10:
0x66: {  	v2 =	vld [tilespmem:s22+$0x80];
	_ =	sdelay $0x7  }
0x67: {  	[tilespmem:v2+s26+$0x0] =	vst.idx.add.f32.msk $0xffff, v1  }
0x68: {  	v2 =	vld [tilespmem:s22+$0x90];
	_ =	sdelay $0x7  }
0x69: {  	[tilespmem:v2+s26+$0x0] =	vst.idx.add.f32.msk $0xffff, v1  }
0x6a: {  	v2 =	vld [tilespmem:s22+$0xA0];
	_ =	sdelay $0x7  }
0x6b: {  	[tilespmem:v2+s26+$0x0] =	vst.idx.add.f32.msk $0xffff, v1  }
0x6c: {  	v2 =	vld [tilespmem:s22+$0xB0];
	_ =	sdelay $0x1  }
0x6d: {  	s19 =	sadd.s32 $0x1, s19  }
0x6e: {  	p1 =	sne.s32 s19, $0xA0  }
.Ltmp5:
0x6f: {  	_ = 	snop;
	(pc) =	sbr.rel @!p1 .LBB2_11-.Ltmp5, $4  }
0x70: {  	_ = 	snop  }
0x71: {  	s0 =	sadd.s32 $0x1, s0  }
0x72: {  	p0 =	sgt.s32 s0, $0x17  }
0x73: {  	s2 =	sadd.s32 $0x2000, s2;
	s0 =	simm.s32 @p0 $0x0;
	[tilespmem:v2+s26+$0x0] =	vst.idx.add.f32.msk $0xffff, v1  }
.LBB2_6:
0x74: {  	s22 =	sadd.s32 $0xFFFFA000, s2  }
0x75: {  	_ =	swait.ge [sflag:s18], $0x2000;
	s23 =	sshll.u32 s0, $0xA;
	p0 =	seq.s32 s19, $0x0  }
0x76: {  	s24 =	sand.u32 $0x6000, s22;
	[sflag:s18] =	ssyncset.done $0x0;
	s22 =	sshra.s32 s23, $0x2  }
0x77: {  	p2 =	sgt.u32 @!p0 s19, $0x8F;
	s23 =	sand.u32 @!p0 $0x7, s19;
	[sflag:s18] =	ssyncadd.s32 $0xFFFFE000  }
0x78: {  	s25 =	sor.u32 $0x1800, s24;
	s30 =	sor.u32 $0x80, s22;
	p3 =	por p2, p0  }
0x79: {  	[spmem:s1] =	stream.indirect.scatter.add.f32 [tilespmem:s25], [sflag:$0x2], $0x80, s30, s21, $0xb8;
	[tilespmem:$0x1FF80] =	vst v63  }
0x7a: {  	p4 =	sne.s32 @!p3 s23, $0x2  }
0x7b: {  	p1 =	por @!p0 p4, p2  }
0x7c: {  	p1 =	por p1, p0  }
0x7d: {  	s23 =	sand.u32 @!p1 $0x7, s0  }
0x7e: {  	p5 =	slt.s32 @!p1 s0, $0x1;
	p6 =	sne.s32 @!p1 s23, $0x0  }
0x7f: {  	p5 =	por @!p1 !p5, !p6  }
0x80: {  	p5 =	por @!p1 !p5, !p5  }
0x81: {  	s23 =	sshra.s32 @!p1 s0, $0x1F;
	p5 =	por @!p3 !p5, p4  }
0x82: {  	s23 =	sshrl.u32 @!p1 s23, $0x1D;
	p5 =	por @!p0 !p5, p2  }
0x83: {  	s24 =	simm.s32 @!p1 $0x1;
	s23 =	sadd.s32 @!p1 s23, s0;
	p5 =	por !p5, p0  }
0x84: {  	s23 =	sshra.s32 @!p1 s23, $0x3;
	s24 =	simm.s32 @p5 $0x0  }
0x85: {  	s23 =	ssub.s32 @!p1 s23, s24  }
0x86: {  	p5 =	sgt.s32 @!p1 s23, $0x0  }
0x87: {  	p3 =	por @!p3 !p5, p4  }
0x88: {  	s25 =	simm.s32 @!p1 $0x7FFFF;
	p2 =	por @!p0 !p3, p2  }
0x89: {  	s30 =	sand.u32 @!p1 $0xF8, s19;
	s24 =	simm.s32 @!p0 $0x2;
	p2 =	por !p2, p0  }
0x8a: {  	s30 =	sadd.s32 @!p1 s30, s13;
	_ =	swait.ge @!p0 [sflag:s24], $0x2000;
	s25 =	simm.s32 @p2 $0x2  }
0x8b: {  	[sflag:s24] =	ssyncset.done @!p0 $0x0;
	s23 =	sadd.s32 @!p1 s23, s25;
	s25 =	sshll.u32 @!p1 s30, $0x5  }
0x8c: {  	[sflag:s24] =	ssyncadd.s32 @!p0 $0xFFFFE000;
	s23 =	sshll.u32 @!p1 s23, $0xD;
	s24 =	sand.u32 @!p1 $0x7FF00, s25  }
0x8d: {  	s25 =	simm.s32 @!p1 $0x0;
	s23 =	sshra.s32 @!p1 s23, $0x2;
	s24 =	sadd.s32 @!p1 s5, s24  }
0x8e: {  	[tilespmem:s23], [sflag:$0x3] =	stream.linear.gather @!p1 [hbm4b:s24+s25], $0x800, $0x38;
	[tilespmem:$0x1FF80] =	vst v63  }
0x8f: {  	s30 =	sadd.s32 $0xFFFFFFF3, s19;
	s25 =	sadd.s32 $0x3, s19  }
0x90: {  	p0 =	sgt.u32 s30, $0x8F;
	s23 =	sand.u32 $0x7, s25  }
0x91: {  	p1 =	sne.s32 @!p0 s23, $0x0  }
0x92: {  	p0 =	por p0, p1  }
.Ltmp6:
0x93: {  	_ = 	snop;
	(pc) =	sbr.rel @!p0 .LBB2_7-.Ltmp6, $1  }
0x94: {  	_ =	sdelay $0x3  }
0x95: {  	p0 =	sgt.u32 s19, $0x9C  }
.Ltmp7:
0x96: {  	_ = 	snop;
	(pc) =	sbr.rel @p0 .LBB2_10-.Ltmp7, $4  }
.Ltmp8:
0x97: {  	_ = 	snop;
	(pc) =	sbr.rel @!p0 .LBB2_9-.Ltmp8, $4  }
0x98: {  	_ = 	snop  }
0x99: {  	_ = 	snop  }
0x9a: {  	_ = 	snop  }
0x9b: {  	_ = 	snop  }
.LBB2_12:
0x9c: {  	_ =	sfence.sel $0x180000  }
0x9d: {  	[bflag:$0x0] =	sbarrier.arrive $0xFFFF  }
0x9e: {  	_ =	strace $0x90000047  }
0x9f: {  	s0 =	stileid.u32;
	[bflag:$0x2] =	sbarrier.arrive $0xFFFF  }
0xa0: {  	p0 =	sne.s32 s0, $0x0;
	s0 =	rddreg [dreg:$0x2]  }
0xa1: {  	s0 =	sadd.s32 @!p0 $0x100000, s0  }
0xa2: {  	[sflag:s0] =	ssyncadd.tile.s32 @!p0 $0x1;
	_ =	shalt  }
.Lfunc_end2:
_tile_overlayer_lowered:
.L_overlay_start_2:
0xa3: {  	(tag) =	ssettag $0x2  }
0xa4: {  	s0 =	rddreg [dreg:$0x0];
	s2 =	stileid.u32  }
0xa5: {  	s1 =	rddreg [dreg:$0x1];
	p0 =	sne.s32 s2, $0x0  }
0xa6: {  	s3 =	rddreg [dreg:$0x2];
	[bflag:$0x3] =	sbarrier.arrive $0xFFFF;
	s2 =	simm.s32 @!p0 $0x1C04  }
0xa7: {  	[timem:s3], [sflag:s2] =	dma.local @!p0 [hbm:s0], s1  }
0xa8: {  	s0 =	simm.s32 @!p0 $0x4  }
0xa9: {  	_ =	swait.ge @!p0 [sflag:s0], s1  }
0xaa: {  	s1 =	ssub.s32 @!p0 $0x0, s1;
	[sflag:s0] =	ssyncset.done @!p0 $0x0  }
0xab: {  	[sflag:s0] =	ssyncadd.s32 @!p0 s1  }
0xac: {  	[bflag:$0x3] =	sbarrier.arrive $0xFFFF  }
0xad: {  	_ =	shalt  }

// kernel: kernel.9.cloned.1.call-start
scs
__scs_entry_jumppad:
0x0: {  	(pc) =	sbr.rel $0x88, $3  }
0x1: {  	(tag) =	ssettag $0x0;
	lr =	simm.s32 $0x1  }
0x2: {  	[smem:$0x3F98] =	sst lr;
	_ =	strace $0xD0000000  }
0x3: {  	_ = 	snop  }
0x4: {  	_ = 	snop  }
0x5: {  	_ = 	snop  }
0x6: {  	_ = 	snop  }
0x7: {  	_ = 	snop  }
__scs_overlays_trampoline_lowered:
0x8: {  	[smem:$0x3FA7] =	sst s0  }
0x9: {  	[smem:$0x3FA8] =	sst s1  }
0xa: {  	[smem:$0x3FA9] =	sst s2  }
0xb: {  	[smem:$0x3FAA] =	sst s3  }
0xc: {  	[smem:$0x3FAB] =	sst s4  }
0xd: {  	[smem:$0x3FAC] =	sst s5  }
0xe: {  	[smem:$0x3FAD] =	sst s6  }
0xf: {  	[smem:$0x3FAE] =	sst s7  }
0x10: {  	[smem:$0x3FAF] =	sst s8  }
0x11: {  	[smem:$0x3FB0] =	sst s9;
	s0 =	simm.s32 @!p0 $0x0  }
0x12: {  	s1 =	sld [smem:$0x3F96];
	s0 =	simm.s32 @p0 $0x1  }
0x13: {  	[smem:$0x3FB1] =	sst s0;
	s0 =	simm.s32 @!p1 $0x0  }
0x14: {  	s2 =	sld [smem:$0x3F95];
	s0 =	simm.s32 @p1 $0x1  }
0x15: {  	[smem:$0x3FB2] =	sst s0;
	s0 =	simm.s32 @!p2 $0x0  }
0x16: {  	s3 =	sld [smem:$0x3FDB];
	s0 =	simm.s32 @p2 $0x1  }
0x17: {  	s4 =	simm.s32 $0x1BF5;
	[smem:$0x3FB4] =	sst s0  }
0x18: {  	s0 =	sld [smem:$0x3F97];
	_ =	swait.ge [sflag:s4], $0x0  }
0x19: {  	s7 =	sld [smem:$0x3F98]  }
0x1a: {  	s8 =	sadd.s32 $0xFFFFE003, lr  }
0x1b: {  	s9 =	sadd.s32 $0xFFFFFEF7, lr;
	s5 =	simm.s32 $0xFFFFFFFF;
	p2 =	slt.u32 s8, $0xFFFFF086  }
0x1c: {  	p1 =	slt.u32 s9, $0xF7A;
	s5 =	simm.s32 @!p2 $0x0  }
0x1d: {  	s5 =	simm.s32 @p1 $0x1;
	p0 =	seq.s32 s7, s2  }
0x1e: {  	s7 =	smul.u32 @!p0 $0xF7A, s2;
	p2 =	seq.s32 @!p0 s5, $0x0  }
0x1f: {  	s9 =	smul.u32 $0xF7A, s1;
	s8 =	simm.s32 @!p0 $0x1BF5;
	p2 =	por !p2, p0  }
0x20: {  	[sflag:s8] =	ssyncset.s32 @!p0 $0xFFFFF086;
	s6 =	sadd.s32 @!p0 s3, s7;
	s7 =	simm.s32 @!p0 $0x108  }
0x21: {  	s3 =	sadd.s32 s3, s9;
	s6 =	sadd.s32 @!p0 $0x88, s6;
	s7 =	simm.s32 @p2 $0x1082  }
0x22: {  	[simem:s7], [sflag:s8] =	dma.local @!p0 [hbm:s6], $0xF7A  }
0x23: {  	s9 =	sor.u32 $0xD0000000, s2;
	s6 =	simm.s32 $0x108;
	_ =	swait.ge @!p0 [sflag:s8], $0x0  }
0x24: {  	s3 =	sadd.s32 $0x88, s3;
	s6 =	simm.s32 @!p1 $0x1082;
	[sflag:s4] =	ssyncset.s32 $0xFFFFF086  }
0x25: {  	[simem:s6], [sflag:s4] =	dma.local [hbm:s3], $0xF7A  }
0x26: {  	[smem:$0x3F98] =	sst s1;
	(tag) =	ssettag s2;
	_ =	strace s9  }
0x27: {  	s1 =	sld [smem:$0x3FA8]  }
0x28: {  	s2 =	sld [smem:$0x3FA9]  }
0x29: {  	s4 =	sld [smem:$0x3FAB]  }
0x2a: {  	p0 =	seq.s32 s5, $0x0;
	s5 =	sld [smem:$0x3FAC]  }
0x2b: {  	s6 =	sld [smem:$0x3FAD]  }
0x2c: {  	s7 =	sld [smem:$0x3FAE]  }
0x2d: {  	s3 =	simm.s32 $0x108;
	s8 =	sld [smem:$0x3FAF]  }
0x2e: {  	s3 =	simm.s32 @!p0 $0x1082;
	s9 =	sld [smem:$0x3FB0]  }
0x2f: {  	lr =	sadd.s32 s0, s3;
	s0 =	sld [smem:$0x3FA7]  }
0x30: {  	s3 =	sld [smem:$0x3FAA]  }
0x31: {  	[smem:$0x3FB3] =	sst s10  }
0x32: {  	s10 =	sld [smem:$0x3FB1];
	_ =	sdelay $0x3  }
0x33: {  	p0 =	seq.s32 s10, $0x1;
	s10 =	sld [smem:$0x3FB3];
	_ =	sdelay $0x3  }
0x34: {  	[smem:$0x3FB3] =	sst s10  }
0x35: {  	s10 =	sld [smem:$0x3FB2];
	_ =	sdelay $0x3  }
0x36: {  	p1 =	seq.s32 s10, $0x1;
	s10 =	sld [smem:$0x3FB3];
	_ =	sdelay $0x3  }
0x37: {  	[smem:$0x3FB3] =	sst s10  }
0x38: {  	s10 =	sld [smem:$0x3FB4]  }
0x39: {  	_ = 	snop;
	(pc) =	sbr.ind lr, $3  }
0x3a: {  	_ = 	snop  }
0x3b: {  	_ = 	snop  }
0x3c: {  	p2 =	seq.s32 s10, $0x1;
	s10 =	sld [smem:$0x3FB3]  }
0x3d: {  	_ =	shalt  }
0x3e: {  	_ =	shalt  }
0x3f: {  	_ =	shalt  }
0x40: {  	_ =	shalt  }
0x41: {  	_ =	shalt  }
0x42: {  	_ =	shalt  }
0x43: {  	_ =	shalt  }
0x44: {  	_ =	shalt  }
0x45: {  	_ =	shalt  }
0x46: {  	_ =	shalt  }
0x47: {  	_ =	shalt  }
0x48: {  	_ =	shalt  }
0x49: {  	_ =	shalt  }
0x4a: {  	_ =	shalt  }
0x4b: {  	_ =	shalt  }
0x4c: {  	_ =	shalt  }
0x4d: {  	_ =	shalt  }
0x4e: {  	_ =	shalt  }
0x4f: {  	_ =	shalt  }
0x50: {  	_ =	shalt  }
0x51: {  	_ =	shalt  }
0x52: {  	_ =	shalt  }
0x53: {  	_ =	shalt  }
0x54: {  	_ =	shalt  }
0x55: {  	_ =	shalt  }
0x56: {  	_ =	shalt  }
0x57: {  	_ =	shalt  }
0x58: {  	_ =	shalt  }
0x59: {  	_ =	shalt  }
0x5a: {  	_ =	shalt  }
0x5b: {  	_ =	shalt  }
0x5c: {  	_ =	shalt  }
0x5d: {  	_ =	shalt  }
0x5e: {  	_ =	shalt  }
0x5f: {  	_ =	shalt  }
0x60: {  	_ =	shalt  }
0x61: {  	_ =	shalt  }
0x62: {  	_ =	shalt  }
0x63: {  	_ =	shalt  }
0x64: {  	_ =	shalt  }
0x65: {  	_ =	shalt  }
0x66: {  	_ =	shalt  }
0x67: {  	_ =	shalt  }
0x68: {  	_ =	shalt  }
0x69: {  	_ =	shalt  }
0x6a: {  	_ =	shalt  }
0x6b: {  	_ =	shalt  }
0x6c: {  	_ =	shalt  }
0x6d: {  	_ =	shalt  }
0x6e: {  	_ =	shalt  }
0x6f: {  	_ =	shalt  }
0x70: {  	_ =	shalt  }
0x71: {  	_ =	shalt  }
0x72: {  	_ =	shalt  }
0x73: {  	_ =	shalt  }
0x74: {  	_ =	shalt  }
0x75: {  	_ =	shalt  }
0x76: {  	_ =	shalt  }
0x77: {  	_ =	shalt  }
0x78: {  	_ =	shalt  }
0x79: {  	_ =	shalt  }
0x7a: {  	_ =	shalt  }
0x7b: {  	_ =	shalt  }
0x7c: {  	_ =	shalt  }
0x7d: {  	_ =	shalt  }
0x7e: {  	_ =	shalt  }
0x7f: {  	_ =	shalt  }
0x80: {  	_ =	shalt  }
0x81: {  	_ =	shalt  }
0x82: {  	_ =	shalt  }
0x83: {  	_ =	shalt  }
0x84: {  	_ =	shalt  }
0x85: {  	_ =	shalt  }
0x86: {  	_ =	shalt  }
0x87: {  	_ =	shalt  }
.Lfunc_end0:
.L_simem_size_0:
called_computation.1_lowered:
.L_overlay_start_0:
0x88: {  	s2 =	sld [smem:$0x3FD9]  }
0x89: {  	s3 =	sld [smem:$0x3FFE];
	_ =	sdelay $0x1  }
0x8a: {  	s1 =	srdreg.scid  }
0x8b: {  	s0 =	sand.u32 $0x1, s1  }
0x8c: {  	s16 =	sshll.u32 s0, $0xA;
	s2 =	sadd.s32 s3, s2  }
0x8d: {  	s2 =	sadd.s32 s2, s16  }
0x8e: {  	[smem:$0x3FBF] =	sst s2  }
0x8f: {  	_ = 	snop  }
0x90: {  	(tm) =	ssettm $0x1  }
0x91: {  	s17 =	sld [smem:$0x3FFB];
	_ =	sdelay $0x3  }
0x92: {  	_ =	strace s17  }
0x93: {  	s2 =	sld [smem:$0x3FFC];
	_ =	sdelay $0x3  }
0x94: {  	_ =	strace s2  }
0x95: {  	s2 =	sld [smem:$0x3FFD];
	_ =	sdelay $0x3  }
0x96: {  	_ =	strace s2  }
0x97: {  	_ =	strace $0x8FFFFFFF  }
0x98: {  	s18 =	sld [smem:$0x3FDB];
	_ =	sdelay $0x1  }
0x99: {  	s19 =	simm.s32 $_scs_section_size  }
0x9a: {  	s4 =	simm.s32 $_size__tile_overlayer_lowered;
	s5 =	simm.s32 $_tile_overlayer_lowered  }
0x9b: {  	s22 =	simm.s32 $0x1BFF;
	s21 =	sshll.u32 s5, $0x1;
	s2 =	sadd.s32 s19, s18  }
0x9c: {  	s6 =	simm.s32 $0x0;
	s20 =	sshll.u32 s4, $0x1;
	s4 =	sadd.s32 s21, s2  }
0x9d: {  	[timem:s6], [sflag:s22] =	dma.local [hbm:s4], s20  }
0x9e: {  	_ =	swait.ge [sflag:s22], s20  }
0x9f: {  	s3 =	ssub.s32 $0x0, s20;
	[sflag:s22] =	ssyncset.done $0x0  }
0xa0: {  	[sflag:s22] =	ssyncadd.s32 s3;
	_ =	sdelay $0x1  }
0xa1: {  	s23 =	simm.s32 $0x1B8B  }
0xa2: {  	_ =	swait.ge [sflag:s23], $0x1  }
0xa3: {  	[sflag:s23] =	ssyncset.done $0x0  }
0xa4: {  	s25 =	simm.s32 $0x1B8E;
	s24 =	sld [smem:$0x3FFE];
	[sflag:s23] =	ssyncadd.s32 $0xFFFFFFFF  }
0xa5: {  	s26 =	simm.s32 $execute0_lowered;
	[smem:$0x3FD2] =	sst s25  }
0xa6: {  	s4 =	sshll.u32 s26, $0x1;
	_ =	strace $0x80000049;
	[dreg:$0x1] =	wrdreg $0xFFFFFFFF  }
0xa7: {  	s28 =	simm.s32 $_size_execute0_lowered;
	s2 =	sadd.s32 s2, s4;
	[dreg:$0x0] =	wrdreg $0x0  }
0xa8: {  	s4 =	sshll.u32 s28, $0x1;
	[dreg:$0x2] =	wrdreg s2  }
0xa9: {  	[dreg:$0x3] =	wrdreg s4  }
0xaa: {  	[dreg:$0x4] =	wrdreg $0xC0  }
0xab: {  	_ =	task [dreg:s6], $0x5FFFF  }
0xac: {  	[dreg:$0x1] =	wrdreg $0xFFFFFFFF  }
0xad: {  	[dreg:$0x0] =	wrdreg $0x60  }
0xae: {  	[dreg:$0x2] =	wrdreg s24  }
0xaf: {  	[dreg:$0x3] =	wrdreg $0x98000  }
0xb0: {  	[dreg:$0x4] =	wrdreg $0x9  }
0xb1: {  	_ =	task.clear_ibuf [dreg:s6], $0x5FFFF;
	_ =	strace $0x90000049  }
0xb2: {  	s29 =	simm.s32 $0x9;
	_ =	strace $0x8000004B  }
0xb3: {  	_ =	swait.ge [sflag:s29], $0x1  }
0xb4: {  	[sflag:s29] =	ssyncadd.s32 $0xFFFFFFFF  }
0xb5: {  	_ =	strace $0x9000004B  }
0xb6: {  	_ =	sfence  }
0xb7: {  	s30 =	sld [smem:$0x0];
	_ =	sdelay $0x2  }
0xb8: {  	s31 =	sshll.u32 s1, $0xD;
	s1 =	sshrl.u32 s1, $0x2  }
0xb9: {  	s3 =	sand.u32 $0x4000, s31;
	s1 =	sadd.s32 s1, s30  }
0xba: {  	s0 =	sor.u32 s3, s0;
	s1 =	sshll.u32 s1, $0x11  }
0xbb: {  	s0 =	sor.u32 s1, s0  }
0xbc: {  	s0 =	sadd.s32 $0x8F2B, s0  }
0xbd: {  	[sflag:s0] =	ssyncadd.remote.s32 $0x1  }
0xbe: {  	_ =	sfence.sel $0xFFFF  }
0xbf: {  	[dreg:$0x0] =	wrdreg $0xFFFFFFFF;
	(pc) =	sbr.abs _section_cstart, $3  }
0xc0: {  	[dreg:$0x1] =	wrdreg $0xFFFFFFFF  }
0xc1: {  	_ =	task.clear_ibuf [dreg:s6], $0x2FFFF;
	_ =	strace $0x9FFFFFFF  }
0xc2: {  	(tm) =	ssettm $0x7FFFFFFF  }
0xc3: {  	_ =	shalt  }
tec
execute0_lowered:
.L_overlay_start_1:
0x0: {  	(tag) =	ssettag $0x1  }
0x1: {  	s6 =	rddreg [dreg:$0x0]  }
0x2: {  	s0 =	srdreg.scid;
	s2 =	rddreg [dreg:$0x1]  }
0x3: {  	s28 =	stileid.u32;
	s3 =	simm.s32 $0x0;
	s16 =	simm.s32 $0x1800  }
0x4: {  	s17 =	simm.s32 $0x1;
	s19 =	simm.s32 $0x3;
	s20 =	simm.s32 $0x40  }
0x5: {  	s21 =	simm.s32 $0x100;
	s22 =	simm.s32 $0x3800;
	s23 =	simm.s32 $0x200  }
0x6: {  	s24 =	simm.s32 $0x5800;
	s25 =	simm.s32 $0x2;
	s26 =	simm.s32 $0x4  }
0x7: {  	s7 =	sand.u32 $0x1, s0;
	s8 =	smul.u32 $0x14000, s28;
	[smem:$0x7FF] =	sst s3  }
0x8: {  	s5 =	smul.u32 $0x140000, s7;
	s29 =	ssub.s32 $0x2, s7;
	s7 =	sshll.u32 s7, $0x4  }
0x9: {  	s4 =	sadd.s32 $0x2A200, s6;
	s9 =	smul.u32 $0x50000, s28;
	s10 =	sor.u32 s28, s7  }
0xa: {  	_ =	strace $0x8000004A;
	s30 =	sshrl.u32 s29, $0x1;
	s11 =	smul.u32 $0x1400, s10  }
0xb: {  	s31 =	sshrl.u32 s9, $0x2;
	s8 =	sadd.s32 s8, s5;
	s13 =	smul.u32 $0xA0, s10  }
.Ltmp0:
0xc: {  	s15 =	ssub.s32 s29, s30;
	s8 =	sshrl.u32 s8, $0x3;
	(pc) =	sbr.rel .LBB2_1-.Ltmp0, $4  }
0xd: {  	s5 =	sadd.s32 $0x2200, s6;
	s15 =	smax.u32 s15, $0x1;
	s14 =	sadd.s32 s8, s6  }
0xe: {  	s6 =	sadd.s32 s31, s2;
	s11 =	sadd.s32 s5, s11;
	s13 =	sor.u32 $0x10, s13  }
0xf: {  	s7 =	sadd.s32 $0x4000, s6;
	s8 =	sadd.s32 $0x8000, s6;
	s9 =	sadd.s32 $0xC000, s6  }
0x10: {  	v0 =	vimm.f32 $0.0e+00;
	s10 =	sadd.s32 $0x10000, s6;
	s12 =	sadd.s32 $0x100, s11;
	s14 =	sadd.s32 $0x52200, s14  }
.LBB2_9:
0x11: {  	_ =	swait.ge [sflag:s25], $0x2000;
	s0 =	stileid.u32  }
0x12: {  	s1 =	sshrl.u32 s6, $0x3;
	s3 =	sadd.s32 $0x1, s3;
	[sflag:s25] =	ssyncset.done $0x0  }
0x13: {  	s0 =	sshll.u32 s0, $0x6;
	p0 =	sne.s32 s3, s15;
	[sflag:s25] =	ssyncadd.s32 $0xFFFFE000  }
.Ltmp1:
0x14: {  	s0 =	sor.u32 $0x1C04, s0;
	[bflag:$0x0] =	sbarrier.arrive $0xFFFF;
	(pc) =	sbr.rel @!p0 .LBB2_10-.Ltmp1, $4  }
0x15: {  	[hbm:s14], [sflag:s0] =	dma.local [spmem:s1], $0x2800  }
0x16: {  	_ =	swait.ge [sflag:s26], $0x2800  }
0x17: {  	[sflag:s26] =	ssyncset.done $0x0  }
0x18: {  	[sflag:s26] =	ssyncadd.s32 $0xFFFFD800  }
.LBB2_1:
0x19: {  	s28 =	simm.s32 $0x0;
	s29 =	simm.s32 $0x200  }
.LBB2_2:
0x1a: {  	p0 =	sne.s32 s29, $0xFE00;
	[tilespmem:s28+$0x1870] =	vst v0  }
0x1b: {  	[tilespmem:s28+$0x1800] =	vst v0  }
0x1c: {  	[tilespmem:s28+$0x1810] =	vst v0  }
.Ltmp2:
0x1d: {  	[tilespmem:s28+$0x1820] =	vst v0;
	(pc) =	sbr.rel @p0 .LBB2_2-.Ltmp2, $4  }
0x1e: {  	[tilespmem:s28+$0x1830] =	vst v0  }
0x1f: {  	[tilespmem:s28+$0x1840] =	vst v0  }
0x20: {  	[tilespmem:s28+$0x1850] =	vst v0  }
0x21: {  	[tilespmem:s28+$0x1860] =	vst v0;
	s28 =	sshra.s32 s29, $0x2;
	s29 =	sadd.s32 $0x200, s29  }
0x22: {  	[tilespmem:s28+$0x1870] =	vst v0  }
0x23: {  	[tilespmem:s28+$0x1800] =	vst v0  }
0x24: {  	[tilespmem:s28+$0x1810] =	vst v0  }
0x25: {  	[tilespmem:s28+$0x1820] =	vst v0  }
0x26: {  	[tilespmem:s28+$0x1830] =	vst v0  }
0x27: {  	[tilespmem:s28+$0x1840] =	vst v0  }
0x28: {  	[tilespmem:s28+$0x1850] =	vst v0  }
0x29: {  	[tilespmem:s28+$0x1860] =	vst v0  }
0x2a: {  	[spmem:s6] =	stream.linear.scatter [tilespmem:s16], [sflag:$0x1], $0x4000, $0x38;
	[tilespmem:$0x1D800] =	vst v63  }
0x2b: {  	_ = 	snop  }
0x2c: {  	[spmem:s7] =	stream.linear.scatter [tilespmem:s16], [sflag:$0x1], $0x4000, $0x38;
	[tilespmem:$0x1D800] =	vst v63  }
0x2d: {  	_ = 	snop  }
0x2e: {  	[spmem:s8] =	stream.linear.scatter [tilespmem:s16], [sflag:$0x1], $0x4000, $0x38;
	[tilespmem:$0x1D800] =	vst v63  }
0x2f: {  	_ = 	snop  }
0x30: {  	[spmem:s9] =	stream.linear.scatter [tilespmem:s16], [sflag:$0x1], $0x4000, $0x38;
	[tilespmem:$0x1D800] =	vst v63  }
0x31: {  	_ = 	snop  }
0x32: {  	[spmem:s10] =	stream.linear.scatter [tilespmem:s16], [sflag:$0x1], $0x4000, $0x38;
	[tilespmem:$0x1D800] =	vst v63  }
0x33: {  	_ =	swait.ge [sflag:s17], $0x4000  }
0x34: {  	[sflag:s17] =	ssyncset.done $0x0  }
0x35: {  	[sflag:s17] =	ssyncadd.s32 $0xFFFFC000  }
0x36: {  	_ =	swait.ge [sflag:s17], $0x4000  }
0x37: {  	[sflag:s17] =	ssyncset.done $0x0  }
0x38: {  	[sflag:s17] =	ssyncadd.s32 $0xFFFFC000  }
0x39: {  	_ =	swait.ge [sflag:s17], $0x4000  }
0x3a: {  	[sflag:s17] =	ssyncset.done $0x0  }
0x3b: {  	[sflag:s17] =	ssyncadd.s32 $0xFFFFC000  }
0x3c: {  	_ =	swait.ge [sflag:s17], $0x4000  }
0x3d: {  	[sflag:s17] =	ssyncset.done $0x0  }
0x3e: {  	[sflag:s17] =	ssyncadd.s32 $0xFFFFC000  }
0x3f: {  	_ =	swait.ge [sflag:s17], $0x4000  }
0x40: {  	[sflag:s17] =	ssyncset.done $0x0  }
0x41: {  	[sflag:s17] =	ssyncadd.s32 $0xFFFFC000  }
0x42: {  	s28 =	simm.s32 $0x0;
	[bflag:$0x0] =	sbarrier.arrive $0xFFFF  }
0x43: {  	[tilespmem:s28], [sflag:$0x3] =	stream.linear.gather [hbm4b:s11+s28], $0x800, $0x38;
	[tilespmem:$0x1D800] =	vst v63  }
0x44: {  	s0 =	simm.s32 $0x800  }
0x45: {  	[tilespmem:s0], [sflag:$0x3] =	stream.linear.gather [hbm4b:s12+s28], $0x800, $0x38;
	[tilespmem:$0x1D800] =	vst v63  }
0x46: {  	_ =	swait.ge [sflag:s19], $0x800  }
0x47: {  	[sflag:s19] =	ssyncset.done $0x0  }
0x48: {  	[sflag:s19] =	ssyncadd.s32 $0xFFFFF800  }
0x49: {  	_ =	swait.ge [sflag:s19], $0x800  }
0x4a: {  	[sflag:s19] =	ssyncset.done $0x0  }
0x4b: {  	[sflag:s19] =	ssyncadd.s32 $0xFFFFF800  }
0x4c: {  	[tilespmem:s16], [sflag:$0x1] =	stream.indirect.gather [hbm4b:s4+s20], $0x80, s28, s20, $0xb8;
	[tilespmem:$0x1D800] =	vst v63  }
.Ltmp3:
0x4d: {  	_ = 	snop;
	(pc) =	sbr.rel .LBB2_4-.Ltmp3, $4  }
0x4e: {  	_ = 	snop  }
0x4f: {  	[tilespmem:s22], [sflag:$0x1] =	stream.indirect.gather [hbm4b:s4+s20], $0x80, s21, s20, $0xb8;
	[tilespmem:$0x1D800] =	vst v63  }
0x50: {  	s29 =	simm.s32 $0x6000;
	s30 =	simm.s32 $0x0  }
0x51: {  	[tilespmem:s24], [sflag:$0x1] =	stream.indirect.gather [hbm4b:s4+s20], $0x80, s23, s20, $0xb8;
	[tilespmem:$0x1D800] =	vst v63  }
.LBB2_5:
0x52: {  	_ =	swait.ge [sflag:s19], $0x800  }
0x53: {  	[sflag:s19] =	ssyncset.done $0x0  }
0x54: {  	[sflag:s19] =	ssyncadd.s32 $0xFFFFF800  }
.LBB2_7:
0x55: {  	s0 =	sadd.s32 $0x3, s28  }
0x56: {  	s1 =	sadd.s32 $0x3FFFEB, s28;
	p0 =	sgt.s32 s0, $0x17  }
0x57: {  	s0 =	smov.u32 @p0 s1  }
0x58: {  	s31 =	sand.u32 $0x6000, s29;
	s0 =	sshll.u32 s0, $0xA  }
0x59: {  	s1 =	sor.u32 $0x1800, s31;
	s0 =	sshra.s32 s0, $0x2  }
0x5a: {  	[tilespmem:s1], [sflag:$0x1] =	stream.indirect.gather [hbm4b:s4+s20], $0x80, s0, s20, $0xb8;
	[tilespmem:$0x1D800] =	vst v63  }
.LBB2_8:
0x5b: {  	s30 =	sadd.s32 $0x1, s30  }
0x5c: {  	p1 =	sne.s32 s30, $0xA0  }
.Ltmp4:
0x5d: {  	_ = 	snop;
	(pc) =	sbr.rel @!p1 .LBB2_9-.Ltmp4, $4  }
0x5e: {  	_ = 	snop  }
0x5f: {  	s28 =	sadd.s32 $0x1, s28  }
0x60: {  	p0 =	sgt.s32 s28, $0x17  }
0x61: {  	s29 =	sadd.s32 $0x2000, s29;
	s28 =	simm.s32 @p0 $0x0  }
.LBB2_4:
0x62: {  	s31 =	sadd.s32 $0xFFFFA000, s29;
	_ =	swait.ge [sflag:s17], $0x2000  }
0x63: {  	s0 =	sshll.u32 s28, $0xA;
	p0 =	seq.s32 s30, $0x0;
	s31 =	sand.u32 $0x6000, s31  }
0x64: {  	[sflag:s17] =	ssyncset.done $0x0;
	s0 =	sshra.s32 s0, $0x2;
	p2 =	sgt.u32 @!p0 s30, $0x8F  }
0x65: {  	[sflag:s17] =	ssyncadd.s32 $0xFFFFE000;
	s31 =	sor.u32 $0x1800, s31;
	s0 =	sor.u32 $0x80, s0  }
0x66: {  	[spmem:s2] =	stream.indirect.scatter.add.f32 [tilespmem:s31], [sflag:$0x2], $0x80, s0, s20, $0xb8;
	[tilespmem:$0x1D800] =	vst v63  }
0x67: {  	p3 =	por p2, p0;
	s0 =	sand.u32 @!p0 $0x7, s30  }
0x68: {  	p4 =	sne.s32 @!p3 s0, $0x2  }
0x69: {  	p1 =	por @!p0 p4, p2  }
0x6a: {  	p1 =	por p1, p0  }
0x6b: {  	s0 =	sand.u32 @!p1 $0x7, s28  }
0x6c: {  	p5 =	slt.s32 @!p1 s28, $0x1;
	p6 =	sne.s32 @!p1 s0, $0x0  }
0x6d: {  	p5 =	por @!p1 !p5, !p6  }
0x6e: {  	p5 =	por @!p1 !p5, !p5  }
0x6f: {  	s0 =	sshra.s32 @!p1 s28, $0x1F;
	p5 =	por @!p3 !p5, p4  }
0x70: {  	s0 =	sshrl.u32 @!p1 s0, $0x1D;
	p5 =	por @!p0 !p5, p2  }
0x71: {  	s31 =	simm.s32 @!p1 $0x1;
	s0 =	sadd.s32 @!p1 s0, s28;
	p5 =	por !p5, p0  }
0x72: {  	s0 =	sshra.s32 @!p1 s0, $0x3;
	s31 =	simm.s32 @p5 $0x0  }
0x73: {  	s0 =	ssub.s32 @!p1 s0, s31  }
0x74: {  	p5 =	sgt.s32 @!p1 s0, $0x0  }
0x75: {  	p3 =	por @!p3 !p5, p4  }
0x76: {  	s1 =	simm.s32 @!p1 $0x7FFFF;
	p2 =	por @!p0 !p3, p2  }
0x77: {  	s18 =	sand.u32 @!p1 $0xF8, s30;
	s31 =	simm.s32 @!p0 $0x2;
	p2 =	por !p2, p0  }
0x78: {  	s18 =	sadd.s32 @!p1 s18, s13;
	_ =	swait.ge @!p0 [sflag:s31], $0x2000;
	s1 =	simm.s32 @p2 $0x2  }
0x79: {  	[sflag:s31] =	ssyncset.done @!p0 $0x0;
	s0 =	sadd.s32 @!p1 s0, s1;
	s1 =	sshll.u32 @!p1 s18, $0x5  }
0x7a: {  	[sflag:s31] =	ssyncadd.s32 @!p0 $0xFFFFE000;
	s0 =	sshll.u32 @!p1 s0, $0xD;
	s1 =	sand.u32 @!p1 $0x7FF00, s1  }
0x7b: {  	s18 =	simm.s32 @!p1 $0x0;
	s0 =	sshra.s32 @!p1 s0, $0x2;
	s1 =	sadd.s32 @!p1 s5, s1  }
0x7c: {  	[tilespmem:s0], [sflag:$0x3] =	stream.linear.gather @!p1 [hbm4b:s1+s18], $0x800, $0x38;
	[tilespmem:$0x1D800] =	vst v63  }
0x7d: {  	s31 =	sadd.s32 $0xFFFFFFF3, s30;
	s18 =	sadd.s32 $0x3, s30  }
0x7e: {  	p0 =	sgt.u32 s31, $0x8F;
	s0 =	sand.u32 $0x7, s18  }
0x7f: {  	p1 =	sne.s32 @!p0 s0, $0x0  }
0x80: {  	p0 =	por p0, p1  }
.Ltmp5:
0x81: {  	_ = 	snop;
	(pc) =	sbr.rel @!p0 .LBB2_5-.Ltmp5, $1  }
0x82: {  	_ =	sdelay $0x3  }
0x83: {  	p0 =	sgt.u32 s30, $0x9C  }
.Ltmp6:
0x84: {  	_ = 	snop;
	(pc) =	sbr.rel @p0 .LBB2_8-.Ltmp6, $4  }
.Ltmp7:
0x85: {  	_ = 	snop;
	(pc) =	sbr.rel @!p0 .LBB2_7-.Ltmp7, $4  }
0x86: {  	_ = 	snop  }
0x87: {  	_ = 	snop  }
0x88: {  	_ = 	snop  }
0x89: {  	_ = 	snop  }
.LBB2_10:
0x8a: {  	_ =	sfence.sel $0x180000  }
0x8b: {  	[bflag:$0x0] =	sbarrier.arrive $0xFFFF  }
0x8c: {  	_ =	strace $0x9000004A  }
0x8d: {  	s0 =	stileid.u32;
	[bflag:$0x2] =	sbarrier.arrive $0xFFFF  }
0x8e: {  	p0 =	sne.s32 s0, $0x0;
	s0 =	rddreg [dreg:$0x2]  }
0x8f: {  	s0 =	sadd.s32 @!p0 $0x100000, s0  }
0x90: {  	[sflag:s0] =	ssyncadd.tile.s32 @!p0 $0x1;
	_ =	shalt  }
.Lfunc_end2:
_tile_overlayer_lowered:
.L_overlay_start_2:
0x91: {  	(tag) =	ssettag $0x2  }
0x92: {  	s0 =	rddreg [dreg:$0x0];
	s2 =	stileid.u32  }
0x93: {  	s1 =	rddreg [dreg:$0x1];
	p0 =	sne.s32 s2, $0x0  }
0x94: {  	s3 =	rddreg [dreg:$0x2];
	[bflag:$0x3] =	sbarrier.arrive $0xFFFF;
	s2 =	simm.s32 @!p0 $0x1C04  }
0x95: {  	[timem:s3], [sflag:s2] =	dma.local @!p0 [hbm:s0], s1  }
0x96: {  	s0 =	simm.s32 @!p0 $0x4  }
0x97: {  	_ =	swait.ge @!p0 [sflag:s0], s1  }
0x98: {  	s1 =	ssub.s32 @!p0 $0x0, s1;
	[sflag:s0] =	ssyncset.done @!p0 $0x0  }
0x99: {  	[sflag:s0] =	ssyncadd.s32 @!p0 s1  }
0x9a: {  	[bflag:$0x3] =	sbarrier.arrive $0xFFFF  }
0x9b: {  	_ =	shalt  }

</sc_bundles>
